<compile_context>
chip_gen: v7x
topology: tpu7x:2x2x1
jax: 0.10.2.dev20260603
libtpu: 0.0.44.dev20260713+nightly
codegen_flags: <defaults>
</compile_context>

<pallas_src>
import functools

import jax
import jax.numpy as jnp
from jax import lax
from jax.experimental import pallas as pl
from jax.experimental.pallas import tpu as pltpu
from jax.experimental.pallas import tpu_sc as plsc

_TOKENS = 32768
_E = 64
_K = 8
_NW = 32
_PT = _TOKENS // _NW
_CH = 256
_NCH = _PT // _CH


def _mm_block(h_ref, wt_ref, b_ref, out_ref):
    out_ref[...] = (
        jnp.dot(h_ref[...], wt_ref[...], preferred_element_type=jnp.float32)
        + b_ref[...]
    )


def _tc_logits(hidden_states, wt, b2):
    t, h = hidden_states.shape
    e = wt.shape[1]
    bt = 512
    return pl.pallas_call(
        _mm_block,
        grid=(t // bt,),
        in_specs=[
            pl.BlockSpec((bt, h), lambda i: (i, 0)),
            pl.BlockSpec((h, e), lambda i: (0, 0)),
            pl.BlockSpec((1, e), lambda i: (0, 0)),
        ],
        out_specs=pl.BlockSpec((bt, e), lambda i: (i, 0)),
        out_shape=jax.ShapeDtypeStruct((t, e), jnp.float32),
    )(hidden_states, wt, b2)


@functools.partial(
    pl.kernel,
    out_type=[
        jax.ShapeDtypeStruct((_TOKENS, _E), jnp.float32),
        jax.ShapeDtypeStruct((_TOKENS, _K), jnp.int32),
    ],
    mesh=plsc.VectorSubcoreMesh(core_axis_name="c", subcore_axis_name="s"),
    compiler_params=pltpu.CompilerParams(needs_layout_passes=False),
    scratch_types=[
        pltpu.VMEM((_CH, _E), jnp.float32),
        pltpu.VMEM((_CH, _E), jnp.float32),
        pltpu.VMEM((_CH, _K), jnp.int32),
        pltpu.VMEM((32,), jnp.float32),
        pltpu.VMEM((32,), jnp.int32),
    ],
)
def _sc_topk(lg_hbm, scores_hbm, idx_hbm, in_v, sc_v, ix_v, mg_v, mg_i):
    wid = lax.axis_index("s") * 2 + lax.axis_index("c")
    iota = lax.iota(jnp.int32, 16)
    fiota = iota.astype(jnp.float32)
    in_lo = iota < 8
    gsel = jnp.where(in_lo, iota, iota + 8)

    for c in range(_NCH):
        base = wid * _PT + c * _CH
        pltpu.sync_copy(lg_hbm.at[pl.ds(base, _CH), :], in_v)

        def tok_body(t, _):
            v0 = in_v[t, pl.ds(0, 16)]
            v1 = in_v[t, pl.ds(16, 16)]
            v2 = in_v[t, pl.ds(32, 16)]
            v3 = in_v[t, pl.ds(48, 16)]

            sv0, si0 = plsc.sort_key_val(v0, iota, descending=True)
            sv1, si1 = plsc.sort_key_val(v1, iota + 16, descending=True)
            sv2, si2 = plsc.sort_key_val(v2, iota + 32, descending=True)
            sv3, si3 = plsc.sort_key_val(v3, iota + 48, descending=True)

            def merge(av, ai, bv, bi):
                mg_v[pl.ds(0, 16)] = av
                mg_v[pl.ds(16, 16)] = bv
                mg_i[pl.ds(0, 16)] = ai
                mg_i[pl.ds(16, 16)] = bi
                cv = plsc.load_gather(mg_v, [gsel])
                ci = plsc.load_gather(mg_i, [gsel])
                return plsc.sort_key_val(cv, ci, descending=True)

            mv01, mi01 = merge(sv0, si0, sv1, si1)
            mv23, mi23 = merge(sv2, si2, sv3, si3)
            fv, fi = merge(mv01, mi01, mv23, mi23)

            vmax = lax.reduce_max(fv, axes=(0,))
            mg_v[pl.ds(0, 16)] = fv
            v8 = plsc.load_gather(mg_v, [jnp.full((16,), 7, jnp.int32)])

            ex8 = jnp.exp(fv - vmax) * jnp.where(in_lo, 1.0, 0.0)
            den = lax.reduce_sum(ex8, axes=(0,))
            rden = 1.0 / (jnp.zeros((16,), jnp.float32) + den)

            for k, vk in enumerate((v0, v1, v2, v3)):
                sc_v[t, pl.ds(k * 16, 16)] = jnp.where(
                    vk >= v8, jnp.exp(vk - vmax) * rden, 0.0
                )
            plsc.store_scatter(
                ix_v, [jnp.full((16,), 0, jnp.int32) + t, iota], fi,
                mask=in_lo,
            )
            return _

        lax.fori_loop(0, _CH, tok_body, 0)

        pltpu.sync_copy(sc_v, scores_hbm.at[pl.ds(base, _CH), :])
        pltpu.sync_copy(ix_v, idx_hbm.at[pl.ds(base, _CH), :])


@functools.partial(jax.jit, static_argnames=())
def kernel(hidden_states, weight, bias):
    e = weight.shape[0]
    wt = weight.T
    b2 = bias.reshape(1, e)
    logits = _tc_logits(hidden_states, wt, b2)
    scores, idx = _sc_topk(logits)
    return scores, idx

# --- scband reference (transcript-rebuilt; emitter-appended) ---
"""Pipeline reference for scband-router-20160576487898 (READ-ONLY COPY).

The authoritative reference and input builder live on the scoring server;
editing this copy changes nothing except your own understanding.
"""

import jax, jax.numpy as jnp
import numpy as np

NUM_EXPERTS = 64
TOP_K = 8
HIDDEN = 4096
TOKENS = 32768


def setup_inputs(seed: int = 0) -> dict:
    key = jax.random.key(seed)
    k1, k2, k3 = jax.random.split(key, 3)
    hidden_states = jax.random.normal(k1, (TOKENS, HIDDEN), dtype=jnp.float32)
    weight = jax.random.normal(k2, (NUM_EXPERTS, HIDDEN), dtype=jnp.float32) * 0.02
    bias = jax.random.normal(k3, (NUM_EXPERTS,), dtype=jnp.float32) * 0.02
    return {"hidden_states": hidden_states, "weight": weight, "bias": bias}


def reference(hidden_states, weight, bias):
    # GPT-OSS Router forward: linear -> top-k -> softmax over top-k -> scatter back
    h = hidden_states.reshape(-1, HIDDEN)
    router_logits = h @ weight.T + bias  # [T, E]
    router_top_value, router_indices = jax.lax.top_k(router_logits, TOP_K)  # [T, k]
    router_top_value = jax.nn.softmax(router_top_value, axis=-1)
    rows = jnp.arange(router_logits.shape[0])[:, None]
    router_scores = jnp.zeros_like(router_logits).at[rows, router_indices].set(router_top_value)
    return router_scores, router_indices

if __name__ == "__main__":
    import jax
    _d = setup_inputs()
    print(jax.jit(kernel)(*tuple(_d.values())))

</pallas_src>

<mosaic_0001>
#map = affine_map<(d0, d1) -> (0, 0)>
module attributes {stable_mosaic.version = 14 : i64} {
  func.func @_sc_topk(%arg0: i32, %arg1: i32, %arg2: memref<32768x64xf32, #tpu.memory_space<hbm>>, %arg3: memref<32768x64xf32, #tpu.memory_space<hbm>>, %arg4: memref<32768x8xi32, #tpu.memory_space<hbm>>, %arg5: memref<256x64xf32, #tpu.memory_space<vmem>>, %arg6: memref<256x64xf32, #tpu.memory_space<vmem>>, %arg7: memref<256x8xi32, #tpu.memory_space<vmem>>, %arg8: memref<32xf32, #tpu.memory_space<vmem>>, %arg9: memref<32xi32, #tpu.memory_space<vmem>>) attributes {dimension_semantics = [#tpu.dimension_semantics<core_parallel>, #tpu.dimension_semantics<subcore_parallel>], iteration_bounds = array<i64: 2, 16>, scalar_prefetch = 0 : i64, scratch_operands = 5 : i64, tpu.core_type = #tpu.core_type<sc_vector_subcore>, window_params = [{transform_indices = #map}, {transform_indices = #map}, {transform_indices = #map}]} {
    %mul3A = arith.constant 2 : i32
    %mul3A_0 = arith.muli %arg1, %mul3A : i32
    %add3A = arith.addi %mul3A_0, %arg0 : i32
    %iota3A = tpu.iota {dimensions = array<i32: 0>} : vector<16xi32>
    %convert_element_type3A = arith.sitofp %iota3A : vector<16xi32> to vector<16xf32>
    %lt3A = arith.constant 8 : i32
    %lt3A_1 = vector.broadcast %lt3A : i32 to vector<16xi32>
    %lt3A_2 = arith.cmpi slt, %iota3A, %lt3A_1 : vector<16xi32>
    %add3A_3 = arith.constant 8 : i32
    %add3A_4 = vector.broadcast %add3A_3 : i32 to vector<16xi32>
    %add3A_5 = arith.addi %iota3A, %add3A_4 : vector<16xi32>
    %select_n3A = arith.select %lt3A_2, %iota3A, %add3A_5 : vector<16xi1>, vector<16xi32>
    %mul3A_6 = arith.constant 1024 : i32
    %mul3A_7 = arith.muli %add3A, %mul3A_6 : i32
    %add3A_8 = arith.constant 0 : i32
    %add3A_9 = arith.addi %mul3A_7, %add3A_8 : i32
    "tpu.region"() ({
      %run_scoped3A = tpu.sem_alloc : memref<!tpu.dma_semaphore, #tpu.memory_space<semaphore_mem>>
      %dma_start3A = arith.constant 0 : i32
      %dma_start3A_45 = tpu.memref_slice %arg2[%add3A_9, %dma_start3A] : memref<32768x64xf32, #tpu.memory_space<hbm>> -> memref<256x64xf32, #tpu.memory_space<hbm>>
      %dma_start3A_46 = arith.constant 0 : i32
      %dma_start3A_47 = tpu.memref_slice %arg2[%add3A_9, %dma_start3A_46] : memref<32768x64xf32, #tpu.memory_space<hbm>> -> memref<256x64xf32, #tpu.memory_space<hbm>>
      tpu.enqueue_dma source(%dma_start3A_47 : memref<256x64xf32, #tpu.memory_space<hbm>>) target(%arg5 : memref<256x64xf32, #tpu.memory_space<vmem>>) target_semaphore(%run_scoped3A : memref<!tpu.dma_semaphore, #tpu.memory_space<semaphore_mem>>)
      %dma_wait3A = arith.constant 0 : i32
      %dma_wait3A_48 = tpu.memref_slice %arg2[%add3A_9, %dma_wait3A] : memref<32768x64xf32, #tpu.memory_space<hbm>> -> memref<256x64xf32, #tpu.memory_space<hbm>>
      %dma_wait3A_49 = arith.constant 0 : i32
      %dma_wait3A_50 = tpu.memref_slice %arg2[%add3A_9, %dma_wait3A_49] : memref<32768x64xf32, #tpu.memory_space<hbm>> -> memref<256x64xf32, #tpu.memory_space<hbm>>
      tpu.wait_dma2 semaphore(%run_scoped3A : memref<!tpu.dma_semaphore, #tpu.memory_space<semaphore_mem>>) src(%dma_wait3A_50 : memref<256x64xf32, #tpu.memory_space<hbm>>) dst(%arg5 : memref<256x64xf32, #tpu.memory_space<vmem>>)
      tpu.yield
    }) : () -> ()
    %scan3A = arith.constant 0 : i32
    %scan3A_10 = arith.constant 0 : i32
    %scan3A_11 = arith.constant 256 : i32
    %scan3A_12 = arith.addi %scan3A_10, %scan3A_11 : i32
    %scan3A_13 = arith.constant 1 : i32
    scf.for %scan3A_45 = %scan3A_10 to %scan3A_12 step %scan3A_13  : i32 {
      %get3A = arith.index_cast %scan3A_45 : i32 to index
      %get3A_46 = arith.constant 0 : index
      %get3A_47 = tpu.vector_load %arg5[%get3A, %get3A_46] {strides = array<i32>} : memref<256x64xf32, #tpu.memory_space<vmem>>, vector<16xf32>,
      %get3A_48 = arith.index_cast %scan3A_45 : i32 to index
      %get3A_49 = arith.constant 16 : index
      %get3A_50 = tpu.vector_load %arg5[%get3A_48, %get3A_49] {strides = array<i32>} : memref<256x64xf32, #tpu.memory_space<vmem>>, vector<16xf32>,
      %get3A_51 = arith.index_cast %scan3A_45 : i32 to index
      %get3A_52 = arith.constant 32 : index
      %get3A_53 = tpu.vector_load %arg5[%get3A_51, %get3A_52] {strides = array<i32>} : memref<256x64xf32, #tpu.memory_space<vmem>>, vector<16xf32>,
      %get3A_54 = arith.index_cast %scan3A_45 : i32 to index
      %get3A_55 = arith.constant 48 : index
      %get3A_56 = tpu.vector_load %arg5[%get3A_54, %get3A_55] {strides = array<i32>} : memref<256x64xf32, #tpu.memory_space<vmem>>, vector<16xf32>,
      %masked_sort3A = arith.constant dense<true> : vector<16xi1>
      %masked_sort3A_57, %masked_sort3A_58, %masked_sort3A_59 = tpu.sort %get3A_47, %iota3A masked %masked_sort3A {descending = true} : (vector<16xf32>, vector<16xi32>, vector<16xi1>) -> (vector<16xi1>, vector<16xf32>, vector<16xi32>)
      %add3A_60 = arith.constant 16 : i32
      %add3A_61 = vector.broadcast %add3A_60 : i32 to vector<16xi32>
      %add3A_62 = arith.addi %iota3A, %add3A_61 : vector<16xi32>
      %masked_sort3A_63 = arith.constant dense<true> : vector<16xi1>
      %masked_sort3A_64, %masked_sort3A_65, %masked_sort3A_66 = tpu.sort %get3A_50, %add3A_62 masked %masked_sort3A_63 {descending = true} : (vector<16xf32>, vector<16xi32>, vector<16xi1>) -> (vector<16xi1>, vector<16xf32>, vector<16xi32>)
      %add3A_67 = arith.constant 32 : i32
      %add3A_68 = vector.broadcast %add3A_67 : i32 to vector<16xi32>
      %add3A_69 = arith.addi %iota3A, %add3A_68 : vector<16xi32>
      %masked_sort3A_70 = arith.constant dense<true> : vector<16xi1>
      %masked_sort3A_71, %masked_sort3A_72, %masked_sort3A_73 = tpu.sort %get3A_53, %add3A_69 masked %masked_sort3A_70 {descending = true} : (vector<16xf32>, vector<16xi32>, vector<16xi1>) -> (vector<16xi1>, vector<16xf32>, vector<16xi32>)
      %add3A_74 = arith.constant 48 : i32
      %add3A_75 = vector.broadcast %add3A_74 : i32 to vector<16xi32>
      %add3A_76 = arith.addi %iota3A, %add3A_75 : vector<16xi32>
      %masked_sort3A_77 = arith.constant dense<true> : vector<16xi1>
      %masked_sort3A_78, %masked_sort3A_79, %masked_sort3A_80 = tpu.sort %get3A_56, %add3A_76 masked %masked_sort3A_77 {descending = true} : (vector<16xf32>, vector<16xi32>, vector<16xi1>) -> (vector<16xi1>, vector<16xf32>, vector<16xi32>)
      %swap3A = arith.constant 0 : index
      %swap3A_81 = tpu.vector_load %arg8[%swap3A] {strides = array<i32>} : memref<32xf32, #tpu.memory_space<vmem>>, vector<16xf32>,
      tpu.vector_store %arg8[%swap3A], %masked_sort3A_58 {strides = array<i32>} : memref<32xf32, #tpu.memory_space<vmem>>, vector<16xf32>,
      %swap3A_82 = arith.constant 16 : index
      %swap3A_83 = tpu.vector_load %arg8[%swap3A_82] {strides = array<i32>} : memref<32xf32, #tpu.memory_space<vmem>>, vector<16xf32>,
      tpu.vector_store %arg8[%swap3A_82], %masked_sort3A_65 {strides = array<i32>} : memref<32xf32, #tpu.memory_space<vmem>>, vector<16xf32>,
      %swap3A_84 = arith.constant 0 : index
      %swap3A_85 = tpu.vector_load %arg9[%swap3A_84] {strides = array<i32>} : memref<32xi32, #tpu.memory_space<vmem>>, vector<16xi32>,
      tpu.vector_store %arg9[%swap3A_84], %masked_sort3A_59 {strides = array<i32>} : memref<32xi32, #tpu.memory_space<vmem>>, vector<16xi32>,
      %swap3A_86 = arith.constant 16 : index
      %swap3A_87 = tpu.vector_load %arg9[%swap3A_86] {strides = array<i32>} : memref<32xi32, #tpu.memory_space<vmem>>, vector<16xi32>,
      tpu.vector_store %arg9[%swap3A_86], %masked_sort3A_66 {strides = array<i32>} : memref<32xi32, #tpu.memory_space<vmem>>, vector<16xi32>,
      %gather3A = tpu.vector_load_idx %arg8[%select_n3A] : memref<32xf32, #tpu.memory_space<vmem>>[vector<16xi32>], vector<16xf32>,
      %gather3A_88 = tpu.vector_load_idx %arg9[%select_n3A] : memref<32xi32, #tpu.memory_space<vmem>>[vector<16xi32>], vector<16xi32>,
      %masked_sort3A_89 = arith.constant dense<true> : vector<16xi1>
      %masked_sort3A_90, %masked_sort3A_91, %masked_sort3A_92 = tpu.sort %gather3A, %gather3A_88 masked %masked_sort3A_89 {descending = true} : (vector<16xf32>, vector<16xi32>, vector<16xi1>) -> (vector<16xi1>, vector<16xf32>, vector<16xi32>)
      %swap3A_93 = arith.constant 0 : index
      %swap3A_94 = tpu.vector_load %arg8[%swap3A_93] {strides = array<i32>} : memref<32xf32, #tpu.memory_space<vmem>>, vector<16xf32>,
      tpu.vector_store %arg8[%swap3A_93], %masked_sort3A_72 {strides = array<i32>} : memref<32xf32, #tpu.memory_space<vmem>>, vector<16xf32>,
      %swap3A_95 = arith.constant 16 : index
      %swap3A_96 = tpu.vector_load %arg8[%swap3A_95] {strides = array<i32>} : memref<32xf32, #tpu.memory_space<vmem>>, vector<16xf32>,
      tpu.vector_store %arg8[%swap3A_95], %masked_sort3A_79 {strides = array<i32>} : memref<32xf32, #tpu.memory_space<vmem>>, vector<16xf32>,
      %swap3A_97 = arith.constant 0 : index
      %swap3A_98 = tpu.vector_load %arg9[%swap3A_97] {strides = array<i32>} : memref<32xi32, #tpu.memory_space<vmem>>, vector<16xi32>,
      tpu.vector_store %arg9[%swap3A_97], %masked_sort3A_73 {strides = array<i32>} : memref<32xi32, #tpu.memory_space<vmem>>, vector<16xi32>,
      %swap3A_99 = arith.constant 16 : index
      %swap3A_100 = tpu.vector_load %arg9[%swap3A_99] {strides = array<i32>} : memref<32xi32, #tpu.memory_space<vmem>>, vector<16xi32>,
      tpu.vector_store %arg9[%swap3A_99], %masked_sort3A_80 {strides = array<i32>} : memref<32xi32, #tpu.memory_space<vmem>>, vector<16xi32>,
      %gather3A_101 = tpu.vector_load_idx %arg8[%select_n3A] : memref<32xf32, #tpu.memory_space<vmem>>[vector<16xi32>], vector<16xf32>,
      %gather3A_102 = tpu.vector_load_idx %arg9[%select_n3A] : memref<32xi32, #tpu.memory_space<vmem>>[vector<16xi32>], vector<16xi32>,
      %masked_sort3A_103 = arith.constant dense<true> : vector<16xi1>
      %masked_sort3A_104, %masked_sort3A_105, %masked_sort3A_106 = tpu.sort %gather3A_101, %gather3A_102 masked %masked_sort3A_103 {descending = true} : (vector<16xf32>, vector<16xi32>, vector<16xi1>) -> (vector<16xi1>, vector<16xf32>, vector<16xi32>)
      %swap3A_107 = arith.constant 0 : index
      %swap3A_108 = tpu.vector_load %arg8[%swap3A_107] {strides = array<i32>} : memref<32xf32, #tpu.memory_space<vmem>>, vector<16xf32>,
      tpu.vector_store %arg8[%swap3A_107], %masked_sort3A_91 {strides = array<i32>} : memref<32xf32, #tpu.memory_space<vmem>>, vector<16xf32>,
      %swap3A_109 = arith.constant 16 : index
      %swap3A_110 = tpu.vector_load %arg8[%swap3A_109] {strides = array<i32>} : memref<32xf32, #tpu.memory_space<vmem>>, vector<16xf32>,
      tpu.vector_store %arg8[%swap3A_109], %masked_sort3A_105 {strides = array<i32>} : memref<32xf32, #tpu.memory_space<vmem>>, vector<16xf32>,
      %swap3A_111 = arith.constant 0 : index
      %swap3A_112 = tpu.vector_load %arg9[%swap3A_111] {strides = array<i32>} : memref<32xi32, #tpu.memory_space<vmem>>, vector<16xi32>,
      tpu.vector_store %arg9[%swap3A_111], %masked_sort3A_92 {strides = array<i32>} : memref<32xi32, #tpu.memory_space<vmem>>, vector<16xi32>,
      %swap3A_113 = arith.constant 16 : index
      %swap3A_114 = tpu.vector_load %arg9[%swap3A_113] {strides = array<i32>} : memref<32xi32, #tpu.memory_space<vmem>>, vector<16xi32>,
      tpu.vector_store %arg9[%swap3A_113], %masked_sort3A_106 {strides = array<i32>} : memref<32xi32, #tpu.memory_space<vmem>>, vector<16xi32>,
      %gather3A_115 = tpu.vector_load_idx %arg8[%select_n3A] : memref<32xf32, #tpu.memory_space<vmem>>[vector<16xi32>], vector<16xf32>,
      %gather3A_116 = tpu.vector_load_idx %arg9[%select_n3A] : memref<32xi32, #tpu.memory_space<vmem>>[vector<16xi32>], vector<16xi32>,
      %masked_sort3A_117 = arith.constant dense<true> : vector<16xi1>
      %masked_sort3A_118, %masked_sort3A_119, %masked_sort3A_120 = tpu.sort %gather3A_115, %gather3A_116 masked %masked_sort3A_117 {descending = true} : (vector<16xf32>, vector<16xi32>, vector<16xi1>) -> (vector<16xi1>, vector<16xf32>, vector<16xi32>)
      %reduce_max3A = arith.constant true
      %reduce_max3A_121 = vector.broadcast %reduce_max3A : i1 to vector<16xi1>
      %reduce_max3A_122 = tpu.scan <max>, %masked_sort3A_119 masked %reduce_max3A_121 : vector<16xf32>, vector<16xi1> -> vector<16xf32>
      %reduce_max3A_123 = vector.extract %reduce_max3A_122[15] : f32 from vector<16xf32>
      %swap3A_124 = arith.constant 0 : index
      %swap3A_125 = tpu.vector_load %arg8[%swap3A_124] {strides = array<i32>} : memref<32xf32, #tpu.memory_space<vmem>>, vector<16xf32>,
      tpu.vector_store %arg8[%swap3A_124], %masked_sort3A_119 {strides = array<i32>} : memref<32xf32, #tpu.memory_space<vmem>>, vector<16xf32>,
      %broadcast_in_dim3A = arith.constant 7 : i32
      %broadcast_in_dim3A_126 = vector.broadcast %broadcast_in_dim3A : i32 to vector<16xi32>
      %gather3A_127 = tpu.vector_load_idx %arg8[%broadcast_in_dim3A_126] : memref<32xf32, #tpu.memory_space<vmem>>[vector<16xi32>], vector<16xf32>,
      %sub3A = vector.broadcast %reduce_max3A_123 : f32 to vector<16xf32>
      %sub3A_128 = arith.subf %masked_sort3A_119, %sub3A : vector<16xf32>
      %exp3A = math.exp %sub3A_128 : vector<16xf32>
      %jit3A = arith.constant 1.000000e+00 : f32
      %jit3A_129 = arith.constant 0.000000e+00 : f32
      %broadcast_in_dim3A_130 = vector.broadcast %jit3A : f32 to vector<16xf32>
      %broadcast_in_dim3A_131 = vector.broadcast %jit3A_129 : f32 to vector<16xf32>
      %select_n3A_132 = arith.select %lt3A_2, %broadcast_in_dim3A_130, %broadcast_in_dim3A_131 : vector<16xi1>, vector<16xf32>
      %mul3A_133 = arith.mulf %exp3A, %select_n3A_132 : vector<16xf32>
      %reduce_sum3A = arith.constant true
      %reduce_sum3A_134 = vector.broadcast %reduce_sum3A : i1 to vector<16xi1>
      %reduce_sum3A_135 = tpu.scan <sum>, %mul3A_133 masked %reduce_sum3A_134 : vector<16xf32>, vector<16xi1> -> vector<16xf32>
      %reduce_sum3A_136 = vector.extract %reduce_sum3A_135[15] : f32 from vector<16xf32>
      %broadcast_in_dim3A_137 = arith.constant 0.000000e+00 : f32
      %broadcast_in_dim3A_138 = vector.broadcast %broadcast_in_dim3A_137 : f32 to vector<16xf32>
      %add3A_139 = vector.broadcast %reduce_sum3A_136 : f32 to vector<16xf32>
      %add3A_140 = arith.addf %broadcast_in_dim3A_138, %add3A_139 : vector<16xf32>
      %div3A = arith.constant 1.000000e+00 : f32
      %div3A_141 = vector.broadcast %div3A : f32 to vector<16xf32>
      %div3A_142 = arith.divf %div3A_141, %add3A_140 : vector<16xf32>
      %ge3A = arith.cmpf oge, %get3A_47, %gather3A_127 : vector<16xf32>
      %sub3A_143 = vector.broadcast %reduce_max3A_123 : f32 to vector<16xf32>
      %sub3A_144 = arith.subf %get3A_47, %sub3A_143 : vector<16xf32>
      %exp3A_145 = math.exp %sub3A_144 : vector<16xf32>
      %mul3A_146 = arith.mulf %exp3A_145, %div3A_142 : vector<16xf32>
      %jit3A_147 = arith.constant 0.000000e+00 : f32
      %broadcast_in_dim3A_148 = vector.broadcast %jit3A_147 : f32 to vector<16xf32>
      %select_n3A_149 = arith.select %ge3A, %mul3A_146, %broadcast_in_dim3A_148 : vector<16xi1>, vector<16xf32>
      %swap3A_150 = arith.index_cast %scan3A_45 : i32 to index
      %swap3A_151 = arith.constant 0 : index
      %swap3A_152 = tpu.vector_load %arg6[%swap3A_150, %swap3A_151] {strides = array<i32>} : memref<256x64xf32, #tpu.memory_space<vmem>>, vector<16xf32>,
      tpu.vector_store %arg6[%swap3A_150, %swap3A_151], %select_n3A_149 {strides = array<i32>} : memref<256x64xf32, #tpu.memory_space<vmem>>, vector<16xf32>,
      %ge3A_153 = arith.cmpf oge, %get3A_50, %gather3A_127 : vector<16xf32>
      %sub3A_154 = vector.broadcast %reduce_max3A_123 : f32 to vector<16xf32>
      %sub3A_155 = arith.subf %get3A_50, %sub3A_154 : vector<16xf32>
      %exp3A_156 = math.exp %sub3A_155 : vector<16xf32>
      %mul3A_157 = arith.mulf %exp3A_156, %div3A_142 : vector<16xf32>
      %jit3A_158 = arith.constant 0.000000e+00 : f32
      %broadcast_in_dim3A_159 = vector.broadcast %jit3A_158 : f32 to vector<16xf32>
      %select_n3A_160 = arith.select %ge3A_153, %mul3A_157, %broadcast_in_dim3A_159 : vector<16xi1>, vector<16xf32>
      %swap3A_161 = arith.index_cast %scan3A_45 : i32 to index
      %swap3A_162 = arith.constant 16 : index
      %swap3A_163 = tpu.vector_load %arg6[%swap3A_161, %swap3A_162] {strides = array<i32>} : memref<256x64xf32, #tpu.memory_space<vmem>>, vector<16xf32>,
      tpu.vector_store %arg6[%swap3A_161, %swap3A_162], %select_n3A_160 {strides = array<i32>} : memref<256x64xf32, #tpu.memory_space<vmem>>, vector<16xf32>,
      %ge3A_164 = arith.cmpf oge, %get3A_53, %gather3A_127 : vector<16xf32>
      %sub3A_165 = vector.broadcast %reduce_max3A_123 : f32 to vector<16xf32>
      %sub3A_166 = arith.subf %get3A_53, %sub3A_165 : vector<16xf32>
      %exp3A_167 = math.exp %sub3A_166 : vector<16xf32>
      %mul3A_168 = arith.mulf %exp3A_167, %div3A_142 : vector<16xf32>
      %jit3A_169 = arith.constant 0.000000e+00 : f32
      %broadcast_in_dim3A_170 = vector.broadcast %jit3A_169 : f32 to vector<16xf32>
      %select_n3A_171 = arith.select %ge3A_164, %mul3A_168, %broadcast_in_dim3A_170 : vector<16xi1>, vector<16xf32>
      %swap3A_172 = arith.index_cast %scan3A_45 : i32 to index
      %swap3A_173 = arith.constant 32 : index
      %swap3A_174 = tpu.vector_load %arg6[%swap3A_172, %swap3A_173] {strides = array<i32>} : memref<256x64xf32, #tpu.memory_space<vmem>>, vector<16xf32>,
      tpu.vector_store %arg6[%swap3A_172, %swap3A_173], %select_n3A_171 {strides = array<i32>} : memref<256x64xf32, #tpu.memory_space<vmem>>, vector<16xf32>,
      %ge3A_175 = arith.cmpf oge, %get3A_56, %gather3A_127 : vector<16xf32>
      %sub3A_176 = vector.broadcast %reduce_max3A_123 : f32 to vector<16xf32>
      %sub3A_177 = arith.subf %get3A_56, %sub3A_176 : vector<16xf32>
      %exp3A_178 = math.exp %sub3A_177 : vector<16xf32>
      %mul3A_179 = arith.mulf %exp3A_178, %div3A_142 : vector<16xf32>
      %jit3A_180 = arith.constant 0.000000e+00 : f32
      %broadcast_in_dim3A_181 = vector.broadcast %jit3A_180 : f32 to vector<16xf32>
      %select_n3A_182 = arith.select %ge3A_175, %mul3A_179, %broadcast_in_dim3A_181 : vector<16xi1>, vector<16xf32>
      %swap3A_183 = arith.index_cast %scan3A_45 : i32 to index
      %swap3A_184 = arith.constant 48 : index
      %swap3A_185 = tpu.vector_load %arg6[%swap3A_183, %swap3A_184] {strides = array<i32>} : memref<256x64xf32, #tpu.memory_space<vmem>>, vector<16xf32>,
      tpu.vector_store %arg6[%swap3A_183, %swap3A_184], %select_n3A_182 {strides = array<i32>} : memref<256x64xf32, #tpu.memory_space<vmem>>, vector<16xf32>,
      %broadcast_in_dim3A_186 = arith.constant 0 : i32
      %broadcast_in_dim3A_187 = vector.broadcast %broadcast_in_dim3A_186 : i32 to vector<16xi32>
      %add3A_188 = vector.broadcast %scan3A_45 : i32 to vector<16xi32>
      %add3A_189 = arith.addi %broadcast_in_dim3A_187, %add3A_188 : vector<16xi32>
      tpu.vector_store_idx %arg7[%add3A_189, %iota3A], %masked_sort3A_120 masked %lt3A_2 : memref<256x8xi32, #tpu.memory_space<vmem>>[vector<16xi32>, vector<16xi32>], vector<16xi32>, vector<16xi1>
    }
    %scan3A_14 = arith.constant 256 : i32
    "tpu.region"() ({
      %run_scoped3A = tpu.sem_alloc : memref<!tpu.dma_semaphore, #tpu.memory_space<semaphore_mem>>
      %dma_start3A = arith.constant 0 : i32
      %dma_start3A_45 = tpu.memref_slice %arg3[%add3A_9, %dma_start3A] : memref<32768x64xf32, #tpu.memory_space<hbm>> -> memref<256x64xf32, #tpu.memory_space<hbm>>
      %dma_start3A_46 = arith.constant 0 : i32
      %dma_start3A_47 = tpu.memref_slice %arg3[%add3A_9, %dma_start3A_46] : memref<32768x64xf32, #tpu.memory_space<hbm>> -> memref<256x64xf32, #tpu.memory_space<hbm>>
      tpu.enqueue_dma source(%arg6 : memref<256x64xf32, #tpu.memory_space<vmem>>) target(%dma_start3A_47 : memref<256x64xf32, #tpu.memory_space<hbm>>) target_semaphore(%run_scoped3A : memref<!tpu.dma_semaphore, #tpu.memory_space<semaphore_mem>>)
      %dma_wait3A = arith.constant 0 : i32
      %dma_wait3A_48 = tpu.memref_slice %arg3[%add3A_9, %dma_wait3A] : memref<32768x64xf32, #tpu.memory_space<hbm>> -> memref<256x64xf32, #tpu.memory_space<hbm>>
      %dma_wait3A_49 = arith.constant 0 : i32
      %dma_wait3A_50 = tpu.memref_slice %arg3[%add3A_9, %dma_wait3A_49] : memref<32768x64xf32, #tpu.memory_space<hbm>> -> memref<256x64xf32, #tpu.memory_space<hbm>>
      tpu.wait_dma2 semaphore(%run_scoped3A : memref<!tpu.dma_semaphore, #tpu.memory_space<semaphore_mem>>) src(%arg6 : memref<256x64xf32, #tpu.memory_space<vmem>>) dst(%dma_wait3A_50 : memref<256x64xf32, #tpu.memory_space<hbm>>)
      tpu.yield
    }) : () -> ()
    "tpu.region"() ({
      %run_scoped3A = tpu.sem_alloc : memref<!tpu.dma_semaphore, #tpu.memory_space<semaphore_mem>>
      %dma_start3A = arith.constant 0 : i32
      %dma_start3A_45 = tpu.memref_slice %arg4[%add3A_9, %dma_start3A] : memref<32768x8xi32, #tpu.memory_space<hbm>> -> memref<256x8xi32, #tpu.memory_space<hbm>>
      %dma_start3A_46 = arith.constant 0 : i32
      %dma_start3A_47 = tpu.memref_slice %arg4[%add3A_9, %dma_start3A_46] : memref<32768x8xi32, #tpu.memory_space<hbm>> -> memref<256x8xi32, #tpu.memory_space<hbm>>
      tpu.enqueue_dma source(%arg7 : memref<256x8xi32, #tpu.memory_space<vmem>>) target(%dma_start3A_47 : memref<256x8xi32, #tpu.memory_space<hbm>>) target_semaphore(%run_scoped3A : memref<!tpu.dma_semaphore, #tpu.memory_space<semaphore_mem>>)
      %dma_wait3A = arith.constant 0 : i32
      %dma_wait3A_48 = tpu.memref_slice %arg4[%add3A_9, %dma_wait3A] : memref<32768x8xi32, #tpu.memory_space<hbm>> -> memref<256x8xi32, #tpu.memory_space<hbm>>
      %dma_wait3A_49 = arith.constant 0 : i32
      %dma_wait3A_50 = tpu.memref_slice %arg4[%add3A_9, %dma_wait3A_49] : memref<32768x8xi32, #tpu.memory_space<hbm>> -> memref<256x8xi32, #tpu.memory_space<hbm>>
      tpu.wait_dma2 semaphore(%run_scoped3A : memref<!tpu.dma_semaphore, #tpu.memory_space<semaphore_mem>>) src(%arg7 : memref<256x8xi32, #tpu.memory_space<vmem>>) dst(%dma_wait3A_50 : memref<256x8xi32, #tpu.memory_space<hbm>>)
      tpu.yield
    }) : () -> ()
    %mul3A_15 = arith.constant 1024 : i32
    %mul3A_16 = arith.muli %add3A, %mul3A_15 : i32
    %add3A_17 = arith.constant 256 : i32
    %add3A_18 = arith.addi %mul3A_16, %add3A_17 : i32
    "tpu.region"() ({
      %run_scoped3A = tpu.sem_alloc : memref<!tpu.dma_semaphore, #tpu.memory_space<semaphore_mem>>
      %dma_start3A = arith.constant 0 : i32
      %dma_start3A_45 = tpu.memref_slice %arg2[%add3A_18, %dma_start3A] : memref<32768x64xf32, #tpu.memory_space<hbm>> -> memref<256x64xf32, #tpu.memory_space<hbm>>
      %dma_start3A_46 = arith.constant 0 : i32
      %dma_start3A_47 = tpu.memref_slice %arg2[%add3A_18, %dma_start3A_46] : memref<32768x64xf32, #tpu.memory_space<hbm>> -> memref<256x64xf32, #tpu.memory_space<hbm>>
      tpu.enqueue_dma source(%dma_start3A_47 : memref<256x64xf32, #tpu.memory_space<hbm>>) target(%arg5 : memref<256x64xf32, #tpu.memory_space<vmem>>) target_semaphore(%run_scoped3A : memref<!tpu.dma_semaphore, #tpu.memory_space<semaphore_mem>>)
      %dma_wait3A = arith.constant 0 : i32
      %dma_wait3A_48 = tpu.memref_slice %arg2[%add3A_18, %dma_wait3A] : memref<32768x64xf32, #tpu.memory_space<hbm>> -> memref<256x64xf32, #tpu.memory_space<hbm>>
      %dma_wait3A_49 = arith.constant 0 : i32
      %dma_wait3A_50 = tpu.memref_slice %arg2[%add3A_18, %dma_wait3A_49] : memref<32768x64xf32, #tpu.memory_space<hbm>> -> memref<256x64xf32, #tpu.memory_space<hbm>>
      tpu.wait_dma2 semaphore(%run_scoped3A : memref<!tpu.dma_semaphore, #tpu.memory_space<semaphore_mem>>) src(%dma_wait3A_50 : memref<256x64xf32, #tpu.memory_space<hbm>>) dst(%arg5 : memref<256x64xf32, #tpu.memory_space<vmem>>)
      tpu.yield
    }) : () -> ()
    %scan3A_19 = arith.constant 0 : i32
    %scan3A_20 = arith.constant 0 : i32
    %scan3A_21 = arith.constant 256 : i32
    %scan3A_22 = arith.addi %scan3A_20, %scan3A_21 : i32
    %scan3A_23 = arith.constant 1 : i32
    scf.for %scan3A_45 = %scan3A_20 to %scan3A_22 step %scan3A_23  : i32 {
      %get3A = arith.index_cast %scan3A_45 : i32 to index
      %get3A_46 = arith.constant 0 : index
      %get3A_47 = tpu.vector_load %arg5[%get3A, %get3A_46] {strides = array<i32>} : memref<256x64xf32, #tpu.memory_space<vmem>>, vector<16xf32>,
      %get3A_48 = arith.index_cast %scan3A_45 : i32 to index
      %get3A_49 = arith.constant 16 : index
      %get3A_50 = tpu.vector_load %arg5[%get3A_48, %get3A_49] {strides = array<i32>} : memref<256x64xf32, #tpu.memory_space<vmem>>, vector<16xf32>,
      %get3A_51 = arith.index_cast %scan3A_45 : i32 to index
      %get3A_52 = arith.constant 32 : index
      %get3A_53 = tpu.vector_load %arg5[%get3A_51, %get3A_52] {strides = array<i32>} : memref<256x64xf32, #tpu.memory_space<vmem>>, vector<16xf32>,
      %get3A_54 = arith.index_cast %scan3A_45 : i32 to index
      %get3A_55 = arith.constant 48 : index
      %get3A_56 = tpu.vector_load %arg5[%get3A_54, %get3A_55] {strides = array<i32>} : memref<256x64xf32, #tpu.memory_space<vmem>>, vector<16xf32>,
      %masked_sort3A = arith.constant dense<true> : vector<16xi1>
      %masked_sort3A_57, %masked_sort3A_58, %masked_sort3A_59 = tpu.sort %get3A_47, %iota3A masked %masked_sort3A {descending = true} : (vector<16xf32>, vector<16xi32>, vector<16xi1>) -> (vector<16xi1>, vector<16xf32>, vector<16xi32>)
      %add3A_60 = arith.constant 16 : i32
      %add3A_61 = vector.broadcast %add3A_60 : i32 to vector<16xi32>
      %add3A_62 = arith.addi %iota3A, %add3A_61 : vector<16xi32>
      %masked_sort3A_63 = arith.constant dense<true> : vector<16xi1>
      %masked_sort3A_64, %masked_sort3A_65, %masked_sort3A_66 = tpu.sort %get3A_50, %add3A_62 masked %masked_sort3A_63 {descending = true} : (vector<16xf32>, vector<16xi32>, vector<16xi1>) -> (vector<16xi1>, vector<16xf32>, vector<16xi32>)
      %add3A_67 = arith.constant 32 : i32
      %add3A_68 = vector.broadcast %add3A_67 : i32 to vector<16xi32>
      %add3A_69 = arith.addi %iota3A, %add3A_68 : vector<16xi32>
      %masked_sort3A_70 = arith.constant dense<true> : vector<16xi1>
      %masked_sort3A_71, %masked_sort3A_72, %masked_sort3A_73 = tpu.sort %get3A_53, %add3A_69 masked %masked_sort3A_70 {descending = true} : (vector<16xf32>, vector<16xi32>, vector<16xi1>) -> (vector<16xi1>, vector<16xf32>, vector<16xi32>)
      %add3A_74 = arith.constant 48 : i32
      %add3A_75 = vector.broadcast %add3A_74 : i32 to vector<16xi32>
      %add3A_76 = arith.addi %iota3A, %add3A_75 : vector<16xi32>
      %masked_sort3A_77 = arith.constant dense<true> : vector<16xi1>
      %masked_sort3A_78, %masked_sort3A_79, %masked_sort3A_80 = tpu.sort %get3A_56, %add3A_76 masked %masked_sort3A_77 {descending = true} : (vector<16xf32>, vector<16xi32>, vector<16xi1>) -> (vector<16xi1>, vector<16xf32>, vector<16xi32>)
      %swap3A = arith.constant 0 : index
      %swap3A_81 = tpu.vector_load %arg8[%swap3A] {strides = array<i32>} : memref<32xf32, #tpu.memory_space<vmem>>, vector<16xf32>,
      tpu.vector_store %arg8[%swap3A], %masked_sort3A_58 {strides = array<i32>} : memref<32xf32, #tpu.memory_space<vmem>>, vector<16xf32>,
      %swap3A_82 = arith.constant 16 : index
      %swap3A_83 = tpu.vector_load %arg8[%swap3A_82] {strides = array<i32>} : memref<32xf32, #tpu.memory_space<vmem>>, vector<16xf32>,
      tpu.vector_store %arg8[%swap3A_82], %masked_sort3A_65 {strides = array<i32>} : memref<32xf32, #tpu.memory_space<vmem>>, vector<16xf32>,
      %swap3A_84 = arith.constant 0 : index
      %swap3A_85 = tpu.vector_load %arg9[%swap3A_84] {strides = array<i32>} : memref<32xi32, #tpu.memory_space<vmem>>, vector<16xi32>,
      tpu.vector_store %arg9[%swap3A_84], %masked_sort3A_59 {strides = array<i32>} : memref<32xi32, #tpu.memory_space<vmem>>, vector<16xi32>,
      %swap3A_86 = arith.constant 16 : index
      %swap3A_87 = tpu.vector_load %arg9[%swap3A_86] {strides = array<i32>} : memref<32xi32, #tpu.memory_space<vmem>>, vector<16xi32>,
      tpu.vector_store %arg9[%swap3A_86], %masked_sort3A_66 {strides = array<i32>} : memref<32xi32, #tpu.memory_space<vmem>>, vector<16xi32>,
      %gather3A = tpu.vector_load_idx %arg8[%select_n3A] : memref<32xf32, #tpu.memory_space<vmem>>[vector<16xi32>], vector<16xf32>,
      %gather3A_88 = tpu.vector_load_idx %arg9[%select_n3A] : memref<32xi32, #tpu.memory_space<vmem>>[vector<16xi32>], vector<16xi32>,
      %masked_sort3A_89 = arith.constant dense<true> : vector<16xi1>
      %masked_sort3A_90, %masked_sort3A_91, %masked_sort3A_92 = tpu.sort %gather3A, %gather3A_88 masked %masked_sort3A_89 {descending = true} : (vector<16xf32>, vector<16xi32>, vector<16xi1>) -> (vector<16xi1>, vector<16xf32>, vector<16xi32>)
      %swap3A_93 = arith.constant 0 : index
      %swap3A_94 = tpu.vector_load %arg8[%swap3A_93] {strides = array<i32>} : memref<32xf32, #tpu.memory_space<vmem>>, vector<16xf32>,
      tpu.vector_store %arg8[%swap3A_93], %masked_sort3A_72 {strides = array<i32>} : memref<32xf32, #tpu.memory_space<vmem>>, vector<16xf32>,
      %swap3A_95 = arith.constant 16 : index
      %swap3A_96 = tpu.vector_load %arg8[%swap3A_95] {strides = array<i32>} : memref<32xf32, #tpu.memory_space<vmem>>, vector<16xf32>,
      tpu.vector_store %arg8[%swap3A_95], %masked_sort3A_79 {strides = array<i32>} : memref<32xf32, #tpu.memory_space<vmem>>, vector<16xf32>,
      %swap3A_97 = arith.constant 0 : index
      %swap3A_98 = tpu.vector_load %arg9[%swap3A_97] {strides = array<i32>} : memref<32xi32, #tpu.memory_space<vmem>>, vector<16xi32>,
      tpu.vector_store %arg9[%swap3A_97], %masked_sort3A_73 {strides = array<i32>} : memref<32xi32, #tpu.memory_space<vmem>>, vector<16xi32>,
      %swap3A_99 = arith.constant 16 : index
      %swap3A_100 = tpu.vector_load %arg9[%swap3A_99] {strides = array<i32>} : memref<32xi32, #tpu.memory_space<vmem>>, vector<16xi32>,
      tpu.vector_store %arg9[%swap3A_99], %masked_sort3A_80 {strides = array<i32>} : memref<32xi32, #tpu.memory_space<vmem>>, vector<16xi32>,
      %gather3A_101 = tpu.vector_load_idx %arg8[%select_n3A] : memref<32xf32, #tpu.memory_space<vmem>>[vector<16xi32>], vector<16xf32>,
      %gather3A_102 = tpu.vector_load_idx %arg9[%select_n3A] : memref<32xi32, #tpu.memory_space<vmem>>[vector<16xi32>], vector<16xi32>,
      %masked_sort3A_103 = arith.constant dense<true> : vector<16xi1>
      %masked_sort3A_104, %masked_sort3A_105, %masked_sort3A_106 = tpu.sort %gather3A_101, %gather3A_102 masked %masked_sort3A_103 {descending = true} : (vector<16xf32>, vector<16xi32>, vector<16xi1>) -> (vector<16xi1>, vector<16xf32>, vector<16xi32>)
      %swap3A_107 = arith.constant 0 : index
      %swap3A_108 = tpu.vector_load %arg8[%swap3A_107] {strides = array<i32>} : memref<32xf32, #tpu.memory_space<vmem>>, vector<16xf32>,
      tpu.vector_store %arg8[%swap3A_107], %masked_sort3A_91 {strides = array<i32>} : memref<32xf32, #tpu.memory_space<vmem>>, vector<16xf32>,
      %swap3A_109 = arith.constant 16 : index
      %swap3A_110 = tpu.vector_load %arg8[%swap3A_109] {strides = array<i32>} : memref<32xf32, #tpu.memory_space<vmem>>, vector<16xf32>,
      tpu.vector_store %arg8[%swap3A_109], %masked_sort3A_105 {strides = array<i32>} : memref<32xf32, #tpu.memory_space<vmem>>, vector<16xf32>,
      %swap3A_111 = arith.constant 0 : index
      %swap3A_112 = tpu.vector_load %arg9[%swap3A_111] {strides = array<i32>} : memref<32xi32, #tpu.memory_space<vmem>>, vector<16xi32>,
      tpu.vector_store %arg9[%swap3A_111], %masked_sort3A_92 {strides = array<i32>} : memref<32xi32, #tpu.memory_space<vmem>>, vector<16xi32>,
      %swap3A_113 = arith.constant 16 : index
      %swap3A_114 = tpu.vector_load %arg9[%swap3A_113] {strides = array<i32>} : memref<32xi32, #tpu.memory_space<vmem>>, vector<16xi32>,
      tpu.vector_store %arg9[%swap3A_113], %masked_sort3A_106 {strides = array<i32>} : memref<32xi32, #tpu.memory_space<vmem>>, vector<16xi32>,
      %gather3A_115 = tpu.vector_load_idx %arg8[%select_n3A] : memref<32xf32, #tpu.memory_space<vmem>>[vector<16xi32>], vector<16xf32>,
      %gather3A_116 = tpu.vector_load_idx %arg9[%select_n3A] : memref<32xi32, #tpu.memory_space<vmem>>[vector<16xi32>], vector<16xi32>,
      %masked_sort3A_117 = arith.constant dense<true> : vector<16xi1>
      %masked_sort3A_118, %masked_sort3A_119, %masked_sort3A_120 = tpu.sort %gather3A_115, %gather3A_116 masked %masked_sort3A_117 {descending = true} : (vector<16xf32>, vector<16xi32>, vector<16xi1>) -> (vector<16xi1>, vector<16xf32>, vector<16xi32>)
      %reduce_max3A = arith.constant true
      %reduce_max3A_121 = vector.broadcast %reduce_max3A : i1 to vector<16xi1>
      %reduce_max3A_122 = tpu.scan <max>, %masked_sort3A_119 masked %reduce_max3A_121 : vector<16xf32>, vector<16xi1> -> vector<16xf32>
      %reduce_max3A_123 = vector.extract %reduce_max3A_122[15] : f32 from vector<16xf32>
      %swap3A_124 = arith.constant 0 : index
      %swap3A_125 = tpu.vector_load %arg8[%swap3A_124] {strides = array<i32>} : memref<32xf32, #tpu.memory_space<vmem>>, vector<16xf32>,
      tpu.vector_store %arg8[%swap3A_124], %masked_sort3A_119 {strides = array<i32>} : memref<32xf32, #tpu.memory_space<vmem>>, vector<16xf32>,
      %broadcast_in_dim3A = arith.constant 7 : i32
      %broadcast_in_dim3A_126 = vector.broadcast %broadcast_in_dim3A : i32 to vector<16xi32>
      %gather3A_127 = tpu.vector_load_idx %arg8[%broadcast_in_dim3A_126] : memref<32xf32, #tpu.memory_space<vmem>>[vector<16xi32>], vector<16xf32>,
      %sub3A = vector.broadcast %reduce_max3A_123 : f32 to vector<16xf32>
      %sub3A_128 = arith.subf %masked_sort3A_119, %sub3A : vector<16xf32>
      %exp3A = math.exp %sub3A_128 : vector<16xf32>
      %jit3A = arith.constant 1.000000e+00 : f32
      %jit3A_129 = arith.constant 0.000000e+00 : f32
      %broadcast_in_dim3A_130 = vector.broadcast %jit3A : f32 to vector<16xf32>
      %broadcast_in_dim3A_131 = vector.broadcast %jit3A_129 : f32 to vector<16xf32>
      %select_n3A_132 = arith.select %lt3A_2, %broadcast_in_dim3A_130, %broadcast_in_dim3A_131 : vector<16xi1>, vector<16xf32>
      %mul3A_133 = arith.mulf %exp3A, %select_n3A_132 : vector<16xf32>
      %reduce_sum3A = arith.constant true
      %reduce_sum3A_134 = vector.broadcast %reduce_sum3A : i1 to vector<16xi1>
      %reduce_sum3A_135 = tpu.scan <sum>, %mul3A_133 masked %reduce_sum3A_134 : vector<16xf32>, vector<16xi1> -> vector<16xf32>
      %reduce_sum3A_136 = vector.extract %reduce_sum3A_135[15] : f32 from vector<16xf32>
      %broadcast_in_dim3A_137 = arith.constant 0.000000e+00 : f32
      %broadcast_in_dim3A_138 = vector.broadcast %broadcast_in_dim3A_137 : f32 to vector<16xf32>
      %add3A_139 = vector.broadcast %reduce_sum3A_136 : f32 to vector<16xf32>
      %add3A_140 = arith.addf %broadcast_in_dim3A_138, %add3A_139 : vector<16xf32>
      %div3A = arith.constant 1.000000e+00 : f32
      %div3A_141 = vector.broadcast %div3A : f32 to vector<16xf32>
      %div3A_142 = arith.divf %div3A_141, %add3A_140 : vector<16xf32>
      %ge3A = arith.cmpf oge, %get3A_47, %gather3A_127 : vector<16xf32>
      %sub3A_143 = vector.broadcast %reduce_max3A_123 : f32 to vector<16xf32>
      %sub3A_144 = arith.subf %get3A_47, %sub3A_143 : vector<16xf32>
      %exp3A_145 = math.exp %sub3A_144 : vector<16xf32>
      %mul3A_146 = arith.mulf %exp3A_145, %div3A_142 : vector<16xf32>
      %jit3A_147 = arith.constant 0.000000e+00 : f32
      %broadcast_in_dim3A_148 = vector.broadcast %jit3A_147 : f32 to vector<16xf32>
      %select_n3A_149 = arith.select %ge3A, %mul3A_146, %broadcast_in_dim3A_148 : vector<16xi1>, vector<16xf32>
      %swap3A_150 = arith.index_cast %scan3A_45 : i32 to index
      %swap3A_151 = arith.constant 0 : index
      %swap3A_152 = tpu.vector_load %arg6[%swap3A_150, %swap3A_151] {strides = array<i32>} : memref<256x64xf32, #tpu.memory_space<vmem>>, vector<16xf32>,
      tpu.vector_store %arg6[%swap3A_150, %swap3A_151], %select_n3A_149 {strides = array<i32>} : memref<256x64xf32, #tpu.memory_space<vmem>>, vector<16xf32>,
      %ge3A_153 = arith.cmpf oge, %get3A_50, %gather3A_127 : vector<16xf32>
      %sub3A_154 = vector.broadcast %reduce_max3A_123 : f32 to vector<16xf32>
      %sub3A_155 = arith.subf %get3A_50, %sub3A_154 : vector<16xf32>
      %exp3A_156 = math.exp %sub3A_155 : vector<16xf32>
      %mul3A_157 = arith.mulf %exp3A_156, %div3A_142 : vector<16xf32>
      %jit3A_158 = arith.constant 0.000000e+00 : f32
      %broadcast_in_dim3A_159 = vector.broadcast %jit3A_158 : f32 to vector<16xf32>
      %select_n3A_160 = arith.select %ge3A_153, %mul3A_157, %broadcast_in_dim3A_159 : vector<16xi1>, vector<16xf32>
      %swap3A_161 = arith.index_cast %scan3A_45 : i32 to index
      %swap3A_162 = arith.constant 16 : index
      %swap3A_163 = tpu.vector_load %arg6[%swap3A_161, %swap3A_162] {strides = array<i32>} : memref<256x64xf32, #tpu.memory_space<vmem>>, vector<16xf32>,
      tpu.vector_store %arg6[%swap3A_161, %swap3A_162], %select_n3A_160 {strides = array<i32>} : memref<256x64xf32, #tpu.memory_space<vmem>>, vector<16xf32>,
      %ge3A_164 = arith.cmpf oge, %get3A_53, %gather3A_127 : vector<16xf32>
      %sub3A_165 = vector.broadcast %reduce_max3A_123 : f32 to vector<16xf32>
      %sub3A_166 = arith.subf %get3A_53, %sub3A_165 : vector<16xf32>
      %exp3A_167 = math.exp %sub3A_166 : vector<16xf32>
      %mul3A_168 = arith.mulf %exp3A_167, %div3A_142 : vector<16xf32>
      %jit3A_169 = arith.constant 0.000000e+00 : f32
      %broadcast_in_dim3A_170 = vector.broadcast %jit3A_169 : f32 to vector<16xf32>
      %select_n3A_171 = arith.select %ge3A_164, %mul3A_168, %broadcast_in_dim3A_170 : vector<16xi1>, vector<16xf32>
      %swap3A_172 = arith.index_cast %scan3A_45 : i32 to index
      %swap3A_173 = arith.constant 32 : index
      %swap3A_174 = tpu.vector_load %arg6[%swap3A_172, %swap3A_173] {strides = array<i32>} : memref<256x64xf32, #tpu.memory_space<vmem>>, vector<16xf32>,
      tpu.vector_store %arg6[%swap3A_172, %swap3A_173], %select_n3A_171 {strides = array<i32>} : memref<256x64xf32, #tpu.memory_space<vmem>>, vector<16xf32>,
      %ge3A_175 = arith.cmpf oge, %get3A_56, %gather3A_127 : vector<16xf32>
      %sub3A_176 = vector.broadcast %reduce_max3A_123 : f32 to vector<16xf32>
      %sub3A_177 = arith.subf %get3A_56, %sub3A_176 : vector<16xf32>
      %exp3A_178 = math.exp %sub3A_177 : vector<16xf32>
      %mul3A_179 = arith.mulf %exp3A_178, %div3A_142 : vector<16xf32>
      %jit3A_180 = arith.constant 0.000000e+00 : f32
      %broadcast_in_dim3A_181 = vector.broadcast %jit3A_180 : f32 to vector<16xf32>
      %select_n3A_182 = arith.select %ge3A_175, %mul3A_179, %broadcast_in_dim3A_181 : vector<16xi1>, vector<16xf32>
      %swap3A_183 = arith.index_cast %scan3A_45 : i32 to index
      %swap3A_184 = arith.constant 48 : index
      %swap3A_185 = tpu.vector_load %arg6[%swap3A_183, %swap3A_184] {strides = array<i32>} : memref<256x64xf32, #tpu.memory_space<vmem>>, vector<16xf32>,
      tpu.vector_store %arg6[%swap3A_183, %swap3A_184], %select_n3A_182 {strides = array<i32>} : memref<256x64xf32, #tpu.memory_space<vmem>>, vector<16xf32>,
      %broadcast_in_dim3A_186 = arith.constant 0 : i32
      %broadcast_in_dim3A_187 = vector.broadcast %broadcast_in_dim3A_186 : i32 to vector<16xi32>
      %add3A_188 = vector.broadcast %scan3A_45 : i32 to vector<16xi32>
      %add3A_189 = arith.addi %broadcast_in_dim3A_187, %add3A_188 : vector<16xi32>
      tpu.vector_store_idx %arg7[%add3A_189, %iota3A], %masked_sort3A_120 masked %lt3A_2 : memref<256x8xi32, #tpu.memory_space<vmem>>[vector<16xi32>, vector<16xi32>], vector<16xi32>, vector<16xi1>
    }
    %scan3A_24 = arith.constant 256 : i32
    "tpu.region"() ({
      %run_scoped3A = tpu.sem_alloc : memref<!tpu.dma_semaphore, #tpu.memory_space<semaphore_mem>>
      %dma_start3A = arith.constant 0 : i32
      %dma_start3A_45 = tpu.memref_slice %arg3[%add3A_18, %dma_start3A] : memref<32768x64xf32, #tpu.memory_space<hbm>> -> memref<256x64xf32, #tpu.memory_space<hbm>>
      %dma_start3A_46 = arith.constant 0 : i32
      %dma_start3A_47 = tpu.memref_slice %arg3[%add3A_18, %dma_start3A_46] : memref<32768x64xf32, #tpu.memory_space<hbm>> -> memref<256x64xf32, #tpu.memory_space<hbm>>
      tpu.enqueue_dma source(%arg6 : memref<256x64xf32, #tpu.memory_space<vmem>>) target(%dma_start3A_47 : memref<256x64xf32, #tpu.memory_space<hbm>>) target_semaphore(%run_scoped3A : memref<!tpu.dma_semaphore, #tpu.memory_space<semaphore_mem>>)
      %dma_wait3A = arith.constant 0 : i32
      %dma_wait3A_48 = tpu.memref_slice %arg3[%add3A_18, %dma_wait3A] : memref<32768x64xf32, #tpu.memory_space<hbm>> -> memref<256x64xf32, #tpu.memory_space<hbm>>
      %dma_wait3A_49 = arith.constant 0 : i32
      %dma_wait3A_50 = tpu.memref_slice %arg3[%add3A_18, %dma_wait3A_49] : memref<32768x64xf32, #tpu.memory_space<hbm>> -> memref<256x64xf32, #tpu.memory_space<hbm>>
      tpu.wait_dma2 semaphore(%run_scoped3A : memref<!tpu.dma_semaphore, #tpu.memory_space<semaphore_mem>>) src(%arg6 : memref<256x64xf32, #tpu.memory_space<vmem>>) dst(%dma_wait3A_50 : memref<256x64xf32, #tpu.memory_space<hbm>>)
      tpu.yield
    }) : () -> ()
    "tpu.region"() ({
      %run_scoped3A = tpu.sem_alloc : memref<!tpu.dma_semaphore, #tpu.memory_space<semaphore_mem>>
      %dma_start3A = arith.constant 0 : i32
      %dma_start3A_45 = tpu.memref_slice %arg4[%add3A_18, %dma_start3A] : memref<32768x8xi32, #tpu.memory_space<hbm>> -> memref<256x8xi32, #tpu.memory_space<hbm>>
      %dma_start3A_46 = arith.constant 0 : i32
      %dma_start3A_47 = tpu.memref_slice %arg4[%add3A_18, %dma_start3A_46] : memref<32768x8xi32, #tpu.memory_space<hbm>> -> memref<256x8xi32, #tpu.memory_space<hbm>>
      tpu.enqueue_dma source(%arg7 : memref<256x8xi32, #tpu.memory_space<vmem>>) target(%dma_start3A_47 : memref<256x8xi32, #tpu.memory_space<hbm>>) target_semaphore(%run_scoped3A : memref<!tpu.dma_semaphore, #tpu.memory_space<semaphore_mem>>)
      %dma_wait3A = arith.constant 0 : i32
      %dma_wait3A_48 = tpu.memref_slice %arg4[%add3A_18, %dma_wait3A] : memref<32768x8xi32, #tpu.memory_space<hbm>> -> memref<256x8xi32, #tpu.memory_space<hbm>>
      %dma_wait3A_49 = arith.constant 0 : i32
      %dma_wait3A_50 = tpu.memref_slice %arg4[%add3A_18, %dma_wait3A_49] : memref<32768x8xi32, #tpu.memory_space<hbm>> -> memref<256x8xi32, #tpu.memory_space<hbm>>
      tpu.wait_dma2 semaphore(%run_scoped3A : memref<!tpu.dma_semaphore, #tpu.memory_space<semaphore_mem>>) src(%arg7 : memref<256x8xi32, #tpu.memory_space<vmem>>) dst(%dma_wait3A_50 : memref<256x8xi32, #tpu.memory_space<hbm>>)
      tpu.yield
    }) : () -> ()
    %mul3A_25 = arith.constant 1024 : i32
    %mul3A_26 = arith.muli %add3A, %mul3A_25 : i32
    %add3A_27 = arith.constant 512 : i32
    %add3A_28 = arith.addi %mul3A_26, %add3A_27 : i32
    "tpu.region"() ({
      %run_scoped3A = tpu.sem_alloc : memref<!tpu.dma_semaphore, #tpu.memory_space<semaphore_mem>>
      %dma_start3A = arith.constant 0 : i32
      %dma_start3A_45 = tpu.memref_slice %arg2[%add3A_28, %dma_start3A] : memref<32768x64xf32, #tpu.memory_space<hbm>> -> memref<256x64xf32, #tpu.memory_space<hbm>>
      %dma_start3A_46 = arith.constant 0 : i32
      %dma_start3A_47 = tpu.memref_slice %arg2[%add3A_28, %dma_start3A_46] : memref<32768x64xf32, #tpu.memory_space<hbm>> -> memref<256x64xf32, #tpu.memory_space<hbm>>
      tpu.enqueue_dma source(%dma_start3A_47 : memref<256x64xf32, #tpu.memory_space<hbm>>) target(%arg5 : memref<256x64xf32, #tpu.memory_space<vmem>>) target_semaphore(%run_scoped3A : memref<!tpu.dma_semaphore, #tpu.memory_space<semaphore_mem>>)
      %dma_wait3A = arith.constant 0 : i32
      %dma_wait3A_48 = tpu.memref_slice %arg2[%add3A_28, %dma_wait3A] : memref<32768x64xf32, #tpu.memory_space<hbm>> -> memref<256x64xf32, #tpu.memory_space<hbm>>
      %dma_wait3A_49 = arith.constant 0 : i32
      %dma_wait3A_50 = tpu.memref_slice %arg2[%add3A_28, %dma_wait3A_49] : memref<32768x64xf32, #tpu.memory_space<hbm>> -> memref<256x64xf32, #tpu.memory_space<hbm>>
      tpu.wait_dma2 semaphore(%run_scoped3A : memref<!tpu.dma_semaphore, #tpu.memory_space<semaphore_mem>>) src(%dma_wait3A_50 : memref<256x64xf32, #tpu.memory_space<hbm>>) dst(%arg5 : memref<256x64xf32, #tpu.memory_space<vmem>>)
      tpu.yield
    }) : () -> ()
    %scan3A_29 = arith.constant 0 : i32
    %scan3A_30 = arith.constant 0 : i32
    %scan3A_31 = arith.constant 256 : i32
    %scan3A_32 = arith.addi %scan3A_30, %scan3A_31 : i32
    %scan3A_33 = arith.constant 1 : i32
    scf.for %scan3A_45 = %scan3A_30 to %scan3A_32 step %scan3A_33  : i32 {
      %get3A = arith.index_cast %scan3A_45 : i32 to index
      %get3A_46 = arith.constant 0 : index
      %get3A_47 = tpu.vector_load %arg5[%get3A, %get3A_46] {strides = array<i32>} : memref<256x64xf32, #tpu.memory_space<vmem>>, vector<16xf32>,
      %get3A_48 = arith.index_cast %scan3A_45 : i32 to index
      %get3A_49 = arith.constant 16 : index
      %get3A_50 = tpu.vector_load %arg5[%get3A_48, %get3A_49] {strides = array<i32>} : memref<256x64xf32, #tpu.memory_space<vmem>>, vector<16xf32>,
      %get3A_51 = arith.index_cast %scan3A_45 : i32 to index
      %get3A_52 = arith.constant 32 : index
      %get3A_53 = tpu.vector_load %arg5[%get3A_51, %get3A_52] {strides = array<i32>} : memref<256x64xf32, #tpu.memory_space<vmem>>, vector<16xf32>,
      %get3A_54 = arith.index_cast %scan3A_45 : i32 to index
      %get3A_55 = arith.constant 48 : index
      %get3A_56 = tpu.vector_load %arg5[%get3A_54, %get3A_55] {strides = array<i32>} : memref<256x64xf32, #tpu.memory_space<vmem>>, vector<16xf32>,
      %masked_sort3A = arith.constant dense<true> : vector<16xi1>
      %masked_sort3A_57, %masked_sort3A_58, %masked_sort3A_59 = tpu.sort %get3A_47, %iota3A masked %masked_sort3A {descending = true} : (vector<16xf32>, vector<16xi32>, vector<16xi1>) -> (vector<16xi1>, vector<16xf32>, vector<16xi32>)
      %add3A_60 = arith.constant 16 : i32
      %add3A_61 = vector.broadcast %add3A_60 : i32 to vector<16xi32>
      %add3A_62 = arith.addi %iota3A, %add3A_61 : vector<16xi32>
      %masked_sort3A_63 = arith.constant dense<true> : vector<16xi1>
      %masked_sort3A_64, %masked_sort3A_65, %masked_sort3A_66 = tpu.sort %get3A_50, %add3A_62 masked %masked_sort3A_63 {descending = true} : (vector<16xf32>, vector<16xi32>, vector<16xi1>) -> (vector<16xi1>, vector<16xf32>, vector<16xi32>)
      %add3A_67 = arith.constant 32 : i32
      %add3A_68 = vector.broadcast %add3A_67 : i32 to vector<16xi32>
      %add3A_69 = arith.addi %iota3A, %add3A_68 : vector<16xi32>
      %masked_sort3A_70 = arith.constant dense<true> : vector<16xi1>
      %masked_sort3A_71, %masked_sort3A_72, %masked_sort3A_73 = tpu.sort %get3A_53, %add3A_69 masked %masked_sort3A_70 {descending = true} : (vector<16xf32>, vector<16xi32>, vector<16xi1>) -> (vector<16xi1>, vector<16xf32>, vector<16xi32>)
      %add3A_74 = arith.constant 48 : i32
      %add3A_75 = vector.broadcast %add3A_74 : i32 to vector<16xi32>
      %add3A_76 = arith.addi %iota3A, %add3A_75 : vector<16xi32>
      %masked_sort3A_77 = arith.constant dense<true> : vector<16xi1>
      %masked_sort3A_78, %masked_sort3A_79, %masked_sort3A_80 = tpu.sort %get3A_56, %add3A_76 masked %masked_sort3A_77 {descending = true} : (vector<16xf32>, vector<16xi32>, vector<16xi1>) -> (vector<16xi1>, vector<16xf32>, vector<16xi32>)
      %swap3A = arith.constant 0 : index
      %swap3A_81 = tpu.vector_load %arg8[%swap3A] {strides = array<i32>} : memref<32xf32, #tpu.memory_space<vmem>>, vector<16xf32>,
      tpu.vector_store %arg8[%swap3A], %masked_sort3A_58 {strides = array<i32>} : memref<32xf32, #tpu.memory_space<vmem>>, vector<16xf32>,
      %swap3A_82 = arith.constant 16 : index
      %swap3A_83 = tpu.vector_load %arg8[%swap3A_82] {strides = array<i32>} : memref<32xf32, #tpu.memory_space<vmem>>, vector<16xf32>,
      tpu.vector_store %arg8[%swap3A_82], %masked_sort3A_65 {strides = array<i32>} : memref<32xf32, #tpu.memory_space<vmem>>, vector<16xf32>,
      %swap3A_84 = arith.constant 0 : index
      %swap3A_85 = tpu.vector_load %arg9[%swap3A_84] {strides = array<i32>} : memref<32xi32, #tpu.memory_space<vmem>>, vector<16xi32>,
      tpu.vector_store %arg9[%swap3A_84], %masked_sort3A_59 {strides = array<i32>} : memref<32xi32, #tpu.memory_space<vmem>>, vector<16xi32>,
      %swap3A_86 = arith.constant 16 : index
      %swap3A_87 = tpu.vector_load %arg9[%swap3A_86] {strides = array<i32>} : memref<32xi32, #tpu.memory_space<vmem>>, vector<16xi32>,
      tpu.vector_store %arg9[%swap3A_86], %masked_sort3A_66 {strides = array<i32>} : memref<32xi32, #tpu.memory_space<vmem>>, vector<16xi32>,
      %gather3A = tpu.vector_load_idx %arg8[%select_n3A] : memref<32xf32, #tpu.memory_space<vmem>>[vector<16xi32>], vector<16xf32>,
      %gather3A_88 = tpu.vector_load_idx %arg9[%select_n3A] : memref<32xi32, #tpu.memory_space<vmem>>[vector<16xi32>], vector<16xi32>,
      %masked_sort3A_89 = arith.constant dense<true> : vector<16xi1>
      %masked_sort3A_90, %masked_sort3A_91, %masked_sort3A_92 = tpu.sort %gather3A, %gather3A_88 masked %masked_sort3A_89 {descending = true} : (vector<16xf32>, vector<16xi32>, vector<16xi1>) -> (vector<16xi1>, vector<16xf32>, vector<16xi32>)
      %swap3A_93 = arith.constant 0 : index
      %swap3A_94 = tpu.vector_load %arg8[%swap3A_93] {strides = array<i32>} : memref<32xf32, #tpu.memory_space<vmem>>, vector<16xf32>,
      tpu.vector_store %arg8[%swap3A_93], %masked_sort3A_72 {strides = array<i32>} : memref<32xf32, #tpu.memory_space<vmem>>, vector<16xf32>,
      %swap3A_95 = arith.constant 16 : index
      %swap3A_96 = tpu.vector_load %arg8[%swap3A_95] {strides = array<i32>} : memref<32xf32, #tpu.memory_space<vmem>>, vector<16xf32>,
      tpu.vector_store %arg8[%swap3A_95], %masked_sort3A_79 {strides = array<i32>} : memref<32xf32, #tpu.memory_space<vmem>>, vector<16xf32>,
      %swap3A_97 = arith.constant 0 : index
      %swap3A_98 = tpu.vector_load %arg9[%swap3A_97] {strides = array<i32>} : memref<32xi32, #tpu.memory_space<vmem>>, vector<16xi32>,
      tpu.vector_store %arg9[%swap3A_97], %masked_sort3A_73 {strides = array<i32>} : memref<32xi32, #tpu.memory_space<vmem>>, vector<16xi32>,
      %swap3A_99 = arith.constant 16 : index
      %swap3A_100 = tpu.vector_load %arg9[%swap3A_99] {strides = array<i32>} : memref<32xi32, #tpu.memory_space<vmem>>, vector<16xi32>,
      tpu.vector_store %arg9[%swap3A_99], %masked_sort3A_80 {strides = array<i32>} : memref<32xi32, #tpu.memory_space<vmem>>, vector<16xi32>,
      %gather3A_101 = tpu.vector_load_idx %arg8[%select_n3A] : memref<32xf32, #tpu.memory_space<vmem>>[vector<16xi32>], vector<16xf32>,
      %gather3A_102 = tpu.vector_load_idx %arg9[%select_n3A] : memref<32xi32, #tpu.memory_space<vmem>>[vector<16xi32>], vector<16xi32>,
      %masked_sort3A_103 = arith.constant dense<true> : vector<16xi1>
      %masked_sort3A_104, %masked_sort3A_105, %masked_sort3A_106 = tpu.sort %gather3A_101, %gather3A_102 masked %masked_sort3A_103 {descending = true} : (vector<16xf32>, vector<16xi32>, vector<16xi1>) -> (vector<16xi1>, vector<16xf32>, vector<16xi32>)
      %swap3A_107 = arith.constant 0 : index
      %swap3A_108 = tpu.vector_load %arg8[%swap3A_107] {strides = array<i32>} : memref<32xf32, #tpu.memory_space<vmem>>, vector<16xf32>,
      tpu.vector_store %arg8[%swap3A_107], %masked_sort3A_91 {strides = array<i32>} : memref<32xf32, #tpu.memory_space<vmem>>, vector<16xf32>,
      %swap3A_109 = arith.constant 16 : index
      %swap3A_110 = tpu.vector_load %arg8[%swap3A_109] {strides = array<i32>} : memref<32xf32, #tpu.memory_space<vmem>>, vector<16xf32>,
      tpu.vector_store %arg8[%swap3A_109], %masked_sort3A_105 {strides = array<i32>} : memref<32xf32, #tpu.memory_space<vmem>>, vector<16xf32>,
      %swap3A_111 = arith.constant 0 : index
      %swap3A_112 = tpu.vector_load %arg9[%swap3A_111] {strides = array<i32>} : memref<32xi32, #tpu.memory_space<vmem>>, vector<16xi32>,
      tpu.vector_store %arg9[%swap3A_111], %masked_sort3A_92 {strides = array<i32>} : memref<32xi32, #tpu.memory_space<vmem>>, vector<16xi32>,
      %swap3A_113 = arith.constant 16 : index
      %swap3A_114 = tpu.vector_load %arg9[%swap3A_113] {strides = array<i32>} : memref<32xi32, #tpu.memory_space<vmem>>, vector<16xi32>,
      tpu.vector_store %arg9[%swap3A_113], %masked_sort3A_106 {strides = array<i32>} : memref<32xi32, #tpu.memory_space<vmem>>, vector<16xi32>,
      %gather3A_115 = tpu.vector_load_idx %arg8[%select_n3A] : memref<32xf32, #tpu.memory_space<vmem>>[vector<16xi32>], vector<16xf32>,
      %gather3A_116 = tpu.vector_load_idx %arg9[%select_n3A] : memref<32xi32, #tpu.memory_space<vmem>>[vector<16xi32>], vector<16xi32>,
      %masked_sort3A_117 = arith.constant dense<true> : vector<16xi1>
      %masked_sort3A_118, %masked_sort3A_119, %masked_sort3A_120 = tpu.sort %gather3A_115, %gather3A_116 masked %masked_sort3A_117 {descending = true} : (vector<16xf32>, vector<16xi32>, vector<16xi1>) -> (vector<16xi1>, vector<16xf32>, vector<16xi32>)
      %reduce_max3A = arith.constant true
      %reduce_max3A_121 = vector.broadcast %reduce_max3A : i1 to vector<16xi1>
      %reduce_max3A_122 = tpu.scan <max>, %masked_sort3A_119 masked %reduce_max3A_121 : vector<16xf32>, vector<16xi1> -> vector<16xf32>
      %reduce_max3A_123 = vector.extract %reduce_max3A_122[15] : f32 from vector<16xf32>
      %swap3A_124 = arith.constant 0 : index
      %swap3A_125 = tpu.vector_load %arg8[%swap3A_124] {strides = array<i32>} : memref<32xf32, #tpu.memory_space<vmem>>, vector<16xf32>,
      tpu.vector_store %arg8[%swap3A_124], %masked_sort3A_119 {strides = array<i32>} : memref<32xf32, #tpu.memory_space<vmem>>, vector<16xf32>,
      %broadcast_in_dim3A = arith.constant 7 : i32
      %broadcast_in_dim3A_126 = vector.broadcast %broadcast_in_dim3A : i32 to vector<16xi32>
      %gather3A_127 = tpu.vector_load_idx %arg8[%broadcast_in_dim3A_126] : memref<32xf32, #tpu.memory_space<vmem>>[vector<16xi32>], vector<16xf32>,
      %sub3A = vector.broadcast %reduce_max3A_123 : f32 to vector<16xf32>
      %sub3A_128 = arith.subf %masked_sort3A_119, %sub3A : vector<16xf32>
      %exp3A = math.exp %sub3A_128 : vector<16xf32>
      %jit3A = arith.constant 1.000000e+00 : f32
      %jit3A_129 = arith.constant 0.000000e+00 : f32
      %broadcast_in_dim3A_130 = vector.broadcast %jit3A : f32 to vector<16xf32>
      %broadcast_in_dim3A_131 = vector.broadcast %jit3A_129 : f32 to vector<16xf32>
      %select_n3A_132 = arith.select %lt3A_2, %broadcast_in_dim3A_130, %broadcast_in_dim3A_131 : vector<16xi1>, vector<16xf32>
      %mul3A_133 = arith.mulf %exp3A, %select_n3A_132 : vector<16xf32>
      %reduce_sum3A = arith.constant true
      %reduce_sum3A_134 = vector.broadcast %reduce_sum3A : i1 to vector<16xi1>
      %reduce_sum3A_135 = tpu.scan <sum>, %mul3A_133 masked %reduce_sum3A_134 : vector<16xf32>, vector<16xi1> -> vector<16xf32>
      %reduce_sum3A_136 = vector.extract %reduce_sum3A_135[15] : f32 from vector<16xf32>
      %broadcast_in_dim3A_137 = arith.constant 0.000000e+00 : f32
      %broadcast_in_dim3A_138 = vector.broadcast %broadcast_in_dim3A_137 : f32 to vector<16xf32>
      %add3A_139 = vector.broadcast %reduce_sum3A_136 : f32 to vector<16xf32>
      %add3A_140 = arith.addf %broadcast_in_dim3A_138, %add3A_139 : vector<16xf32>
      %div3A = arith.constant 1.000000e+00 : f32
      %div3A_141 = vector.broadcast %div3A : f32 to vector<16xf32>
      %div3A_142 = arith.divf %div3A_141, %add3A_140 : vector<16xf32>
      %ge3A = arith.cmpf oge, %get3A_47, %gather3A_127 : vector<16xf32>
      %sub3A_143 = vector.broadcast %reduce_max3A_123 : f32 to vector<16xf32>
      %sub3A_144 = arith.subf %get3A_47, %sub3A_143 : vector<16xf32>
      %exp3A_145 = math.exp %sub3A_144 : vector<16xf32>
      %mul3A_146 = arith.mulf %exp3A_145, %div3A_142 : vector<16xf32>
      %jit3A_147 = arith.constant 0.000000e+00 : f32
      %broadcast_in_dim3A_148 = vector.broadcast %jit3A_147 : f32 to vector<16xf32>
      %select_n3A_149 = arith.select %ge3A, %mul3A_146, %broadcast_in_dim3A_148 : vector<16xi1>, vector<16xf32>
      %swap3A_150 = arith.index_cast %scan3A_45 : i32 to index
      %swap3A_151 = arith.constant 0 : index
      %swap3A_152 = tpu.vector_load %arg6[%swap3A_150, %swap3A_151] {strides = array<i32>} : memref<256x64xf32, #tpu.memory_space<vmem>>, vector<16xf32>,
      tpu.vector_store %arg6[%swap3A_150, %swap3A_151], %select_n3A_149 {strides = array<i32>} : memref<256x64xf32, #tpu.memory_space<vmem>>, vector<16xf32>,
      %ge3A_153 = arith.cmpf oge, %get3A_50, %gather3A_127 : vector<16xf32>
      %sub3A_154 = vector.broadcast %reduce_max3A_123 : f32 to vector<16xf32>
      %sub3A_155 = arith.subf %get3A_50, %sub3A_154 : vector<16xf32>
      %exp3A_156 = math.exp %sub3A_155 : vector<16xf32>
      %mul3A_157 = arith.mulf %exp3A_156, %div3A_142 : vector<16xf32>
      %jit3A_158 = arith.constant 0.000000e+00 : f32
      %broadcast_in_dim3A_159 = vector.broadcast %jit3A_158 : f32 to vector<16xf32>
      %select_n3A_160 = arith.select %ge3A_153, %mul3A_157, %broadcast_in_dim3A_159 : vector<16xi1>, vector<16xf32>
      %swap3A_161 = arith.index_cast %scan3A_45 : i32 to index
      %swap3A_162 = arith.constant 16 : index
      %swap3A_163 = tpu.vector_load %arg6[%swap3A_161, %swap3A_162] {strides = array<i32>} : memref<256x64xf32, #tpu.memory_space<vmem>>, vector<16xf32>,
      tpu.vector_store %arg6[%swap3A_161, %swap3A_162], %select_n3A_160 {strides = array<i32>} : memref<256x64xf32, #tpu.memory_space<vmem>>, vector<16xf32>,
      %ge3A_164 = arith.cmpf oge, %get3A_53, %gather3A_127 : vector<16xf32>
      %sub3A_165 = vector.broadcast %reduce_max3A_123 : f32 to vector<16xf32>
      %sub3A_166 = arith.subf %get3A_53, %sub3A_165 : vector<16xf32>
      %exp3A_167 = math.exp %sub3A_166 : vector<16xf32>
      %mul3A_168 = arith.mulf %exp3A_167, %div3A_142 : vector<16xf32>
      %jit3A_169 = arith.constant 0.000000e+00 : f32
      %broadcast_in_dim3A_170 = vector.broadcast %jit3A_169 : f32 to vector<16xf32>
      %select_n3A_171 = arith.select %ge3A_164, %mul3A_168, %broadcast_in_dim3A_170 : vector<16xi1>, vector<16xf32>
      %swap3A_172 = arith.index_cast %scan3A_45 : i32 to index
      %swap3A_173 = arith.constant 32 : index
      %swap3A_174 = tpu.vector_load %arg6[%swap3A_172, %swap3A_173] {strides = array<i32>} : memref<256x64xf32, #tpu.memory_space<vmem>>, vector<16xf32>,
      tpu.vector_store %arg6[%swap3A_172, %swap3A_173], %select_n3A_171 {strides = array<i32>} : memref<256x64xf32, #tpu.memory_space<vmem>>, vector<16xf32>,
      %ge3A_175 = arith.cmpf oge, %get3A_56, %gather3A_127 : vector<16xf32>
      %sub3A_176 = vector.broadcast %reduce_max3A_123 : f32 to vector<16xf32>
      %sub3A_177 = arith.subf %get3A_56, %sub3A_176 : vector<16xf32>
      %exp3A_178 = math.exp %sub3A_177 : vector<16xf32>
      %mul3A_179 = arith.mulf %exp3A_178, %div3A_142 : vector<16xf32>
      %jit3A_180 = arith.constant 0.000000e+00 : f32
      %broadcast_in_dim3A_181 = vector.broadcast %jit3A_180 : f32 to vector<16xf32>
      %select_n3A_182 = arith.select %ge3A_175, %mul3A_179, %broadcast_in_dim3A_181 : vector<16xi1>, vector<16xf32>
      %swap3A_183 = arith.index_cast %scan3A_45 : i32 to index
      %swap3A_184 = arith.constant 48 : index
      %swap3A_185 = tpu.vector_load %arg6[%swap3A_183, %swap3A_184] {strides = array<i32>} : memref<256x64xf32, #tpu.memory_space<vmem>>, vector<16xf32>,
      tpu.vector_store %arg6[%swap3A_183, %swap3A_184], %select_n3A_182 {strides = array<i32>} : memref<256x64xf32, #tpu.memory_space<vmem>>, vector<16xf32>,
      %broadcast_in_dim3A_186 = arith.constant 0 : i32
      %broadcast_in_dim3A_187 = vector.broadcast %broadcast_in_dim3A_186 : i32 to vector<16xi32>
      %add3A_188 = vector.broadcast %scan3A_45 : i32 to vector<16xi32>
      %add3A_189 = arith.addi %broadcast_in_dim3A_187, %add3A_188 : vector<16xi32>
      tpu.vector_store_idx %arg7[%add3A_189, %iota3A], %masked_sort3A_120 masked %lt3A_2 : memref<256x8xi32, #tpu.memory_space<vmem>>[vector<16xi32>, vector<16xi32>], vector<16xi32>, vector<16xi1>
    }
    %scan3A_34 = arith.constant 256 : i32
    "tpu.region"() ({
      %run_scoped3A = tpu.sem_alloc : memref<!tpu.dma_semaphore, #tpu.memory_space<semaphore_mem>>
      %dma_start3A = arith.constant 0 : i32
      %dma_start3A_45 = tpu.memref_slice %arg3[%add3A_28, %dma_start3A] : memref<32768x64xf32, #tpu.memory_space<hbm>> -> memref<256x64xf32, #tpu.memory_space<hbm>>
      %dma_start3A_46 = arith.constant 0 : i32
      %dma_start3A_47 = tpu.memref_slice %arg3[%add3A_28, %dma_start3A_46] : memref<32768x64xf32, #tpu.memory_space<hbm>> -> memref<256x64xf32, #tpu.memory_space<hbm>>
      tpu.enqueue_dma source(%arg6 : memref<256x64xf32, #tpu.memory_space<vmem>>) target(%dma_start3A_47 : memref<256x64xf32, #tpu.memory_space<hbm>>) target_semaphore(%run_scoped3A : memref<!tpu.dma_semaphore, #tpu.memory_space<semaphore_mem>>)
      %dma_wait3A = arith.constant 0 : i32
      %dma_wait3A_48 = tpu.memref_slice %arg3[%add3A_28, %dma_wait3A] : memref<32768x64xf32, #tpu.memory_space<hbm>> -> memref<256x64xf32, #tpu.memory_space<hbm>>
      %dma_wait3A_49 = arith.constant 0 : i32
      %dma_wait3A_50 = tpu.memref_slice %arg3[%add3A_28, %dma_wait3A_49] : memref<32768x64xf32, #tpu.memory_space<hbm>> -> memref<256x64xf32, #tpu.memory_space<hbm>>
      tpu.wait_dma2 semaphore(%run_scoped3A : memref<!tpu.dma_semaphore, #tpu.memory_space<semaphore_mem>>) src(%arg6 : memref<256x64xf32, #tpu.memory_space<vmem>>) dst(%dma_wait3A_50 : memref<256x64xf32, #tpu.memory_space<hbm>>)
      tpu.yield
    }) : () -> ()
    "tpu.region"() ({
      %run_scoped3A = tpu.sem_alloc : memref<!tpu.dma_semaphore, #tpu.memory_space<semaphore_mem>>
      %dma_start3A = arith.constant 0 : i32
      %dma_start3A_45 = tpu.memref_slice %arg4[%add3A_28, %dma_start3A] : memref<32768x8xi32, #tpu.memory_space<hbm>> -> memref<256x8xi32, #tpu.memory_space<hbm>>
      %dma_start3A_46 = arith.constant 0 : i32
      %dma_start3A_47 = tpu.memref_slice %arg4[%add3A_28, %dma_start3A_46] : memref<32768x8xi32, #tpu.memory_space<hbm>> -> memref<256x8xi32, #tpu.memory_space<hbm>>
      tpu.enqueue_dma source(%arg7 : memref<256x8xi32, #tpu.memory_space<vmem>>) target(%dma_start3A_47 : memref<256x8xi32, #tpu.memory_space<hbm>>) target_semaphore(%run_scoped3A : memref<!tpu.dma_semaphore, #tpu.memory_space<semaphore_mem>>)
      %dma_wait3A = arith.constant 0 : i32
      %dma_wait3A_48 = tpu.memref_slice %arg4[%add3A_28, %dma_wait3A] : memref<32768x8xi32, #tpu.memory_space<hbm>> -> memref<256x8xi32, #tpu.memory_space<hbm>>
      %dma_wait3A_49 = arith.constant 0 : i32
      %dma_wait3A_50 = tpu.memref_slice %arg4[%add3A_28, %dma_wait3A_49] : memref<32768x8xi32, #tpu.memory_space<hbm>> -> memref<256x8xi32, #tpu.memory_space<hbm>>
      tpu.wait_dma2 semaphore(%run_scoped3A : memref<!tpu.dma_semaphore, #tpu.memory_space<semaphore_mem>>) src(%arg7 : memref<256x8xi32, #tpu.memory_space<vmem>>) dst(%dma_wait3A_50 : memref<256x8xi32, #tpu.memory_space<hbm>>)
      tpu.yield
    }) : () -> ()
    %mul3A_35 = arith.constant 1024 : i32
    %mul3A_36 = arith.muli %add3A, %mul3A_35 : i32
    %add3A_37 = arith.constant 768 : i32
    %add3A_38 = arith.addi %mul3A_36, %add3A_37 : i32
    "tpu.region"() ({
      %run_scoped3A = tpu.sem_alloc : memref<!tpu.dma_semaphore, #tpu.memory_space<semaphore_mem>>
      %dma_start3A = arith.constant 0 : i32
      %dma_start3A_45 = tpu.memref_slice %arg2[%add3A_38, %dma_start3A] : memref<32768x64xf32, #tpu.memory_space<hbm>> -> memref<256x64xf32, #tpu.memory_space<hbm>>
      %dma_start3A_46 = arith.constant 0 : i32
      %dma_start3A_47 = tpu.memref_slice %arg2[%add3A_38, %dma_start3A_46] : memref<32768x64xf32, #tpu.memory_space<hbm>> -> memref<256x64xf32, #tpu.memory_space<hbm>>
      tpu.enqueue_dma source(%dma_start3A_47 : memref<256x64xf32, #tpu.memory_space<hbm>>) target(%arg5 : memref<256x64xf32, #tpu.memory_space<vmem>>) target_semaphore(%run_scoped3A : memref<!tpu.dma_semaphore, #tpu.memory_space<semaphore_mem>>)
      %dma_wait3A = arith.constant 0 : i32
      %dma_wait3A_48 = tpu.memref_slice %arg2[%add3A_38, %dma_wait3A] : memref<32768x64xf32, #tpu.memory_space<hbm>> -> memref<256x64xf32, #tpu.memory_space<hbm>>
      %dma_wait3A_49 = arith.constant 0 : i32
      %dma_wait3A_50 = tpu.memref_slice %arg2[%add3A_38, %dma_wait3A_49] : memref<32768x64xf32, #tpu.memory_space<hbm>> -> memref<256x64xf32, #tpu.memory_space<hbm>>
      tpu.wait_dma2 semaphore(%run_scoped3A : memref<!tpu.dma_semaphore, #tpu.memory_space<semaphore_mem>>) src(%dma_wait3A_50 : memref<256x64xf32, #tpu.memory_space<hbm>>) dst(%arg5 : memref<256x64xf32, #tpu.memory_space<vmem>>)
      tpu.yield
    }) : () -> ()
    %scan3A_39 = arith.constant 0 : i32
    %scan3A_40 = arith.constant 0 : i32
    %scan3A_41 = arith.constant 256 : i32
    %scan3A_42 = arith.addi %scan3A_40, %scan3A_41 : i32
    %scan3A_43 = arith.constant 1 : i32
    scf.for %scan3A_45 = %scan3A_40 to %scan3A_42 step %scan3A_43  : i32 {
      %get3A = arith.index_cast %scan3A_45 : i32 to index
      %get3A_46 = arith.constant 0 : index
      %get3A_47 = tpu.vector_load %arg5[%get3A, %get3A_46] {strides = array<i32>} : memref<256x64xf32, #tpu.memory_space<vmem>>, vector<16xf32>,
      %get3A_48 = arith.index_cast %scan3A_45 : i32 to index
      %get3A_49 = arith.constant 16 : index
      %get3A_50 = tpu.vector_load %arg5[%get3A_48, %get3A_49] {strides = array<i32>} : memref<256x64xf32, #tpu.memory_space<vmem>>, vector<16xf32>,
      %get3A_51 = arith.index_cast %scan3A_45 : i32 to index
      %get3A_52 = arith.constant 32 : index
      %get3A_53 = tpu.vector_load %arg5[%get3A_51, %get3A_52] {strides = array<i32>} : memref<256x64xf32, #tpu.memory_space<vmem>>, vector<16xf32>,
      %get3A_54 = arith.index_cast %scan3A_45 : i32 to index
      %get3A_55 = arith.constant 48 : index
      %get3A_56 = tpu.vector_load %arg5[%get3A_54, %get3A_55] {strides = array<i32>} : memref<256x64xf32, #tpu.memory_space<vmem>>, vector<16xf32>,
      %masked_sort3A = arith.constant dense<true> : vector<16xi1>
      %masked_sort3A_57, %masked_sort3A_58, %masked_sort3A_59 = tpu.sort %get3A_47, %iota3A masked %masked_sort3A {descending = true} : (vector<16xf32>, vector<16xi32>, vector<16xi1>) -> (vector<16xi1>, vector<16xf32>, vector<16xi32>)
      %add3A_60 = arith.constant 16 : i32
      %add3A_61 = vector.broadcast %add3A_60 : i32 to vector<16xi32>
      %add3A_62 = arith.addi %iota3A, %add3A_61 : vector<16xi32>
      %masked_sort3A_63 = arith.constant dense<true> : vector<16xi1>
      %masked_sort3A_64, %masked_sort3A_65, %masked_sort3A_66 = tpu.sort %get3A_50, %add3A_62 masked %masked_sort3A_63 {descending = true} : (vector<16xf32>, vector<16xi32>, vector<16xi1>) -> (vector<16xi1>, vector<16xf32>, vector<16xi32>)
      %add3A_67 = arith.constant 32 : i32
      %add3A_68 = vector.broadcast %add3A_67 : i32 to vector<16xi32>
      %add3A_69 = arith.addi %iota3A, %add3A_68 : vector<16xi32>
      %masked_sort3A_70 = arith.constant dense<true> : vector<16xi1>
      %masked_sort3A_71, %masked_sort3A_72, %masked_sort3A_73 = tpu.sort %get3A_53, %add3A_69 masked %masked_sort3A_70 {descending = true} : (vector<16xf32>, vector<16xi32>, vector<16xi1>) -> (vector<16xi1>, vector<16xf32>, vector<16xi32>)
      %add3A_74 = arith.constant 48 : i32
      %add3A_75 = vector.broadcast %add3A_74 : i32 to vector<16xi32>
      %add3A_76 = arith.addi %iota3A, %add3A_75 : vector<16xi32>
      %masked_sort3A_77 = arith.constant dense<true> : vector<16xi1>
      %masked_sort3A_78, %masked_sort3A_79, %masked_sort3A_80 = tpu.sort %get3A_56, %add3A_76 masked %masked_sort3A_77 {descending = true} : (vector<16xf32>, vector<16xi32>, vector<16xi1>) -> (vector<16xi1>, vector<16xf32>, vector<16xi32>)
      %swap3A = arith.constant 0 : index
      %swap3A_81 = tpu.vector_load %arg8[%swap3A] {strides = array<i32>} : memref<32xf32, #tpu.memory_space<vmem>>, vector<16xf32>,
      tpu.vector_store %arg8[%swap3A], %masked_sort3A_58 {strides = array<i32>} : memref<32xf32, #tpu.memory_space<vmem>>, vector<16xf32>,
      %swap3A_82 = arith.constant 16 : index
      %swap3A_83 = tpu.vector_load %arg8[%swap3A_82] {strides = array<i32>} : memref<32xf32, #tpu.memory_space<vmem>>, vector<16xf32>,
      tpu.vector_store %arg8[%swap3A_82], %masked_sort3A_65 {strides = array<i32>} : memref<32xf32, #tpu.memory_space<vmem>>, vector<16xf32>,
      %swap3A_84 = arith.constant 0 : index
      %swap3A_85 = tpu.vector_load %arg9[%swap3A_84] {strides = array<i32>} : memref<32xi32, #tpu.memory_space<vmem>>, vector<16xi32>,
      tpu.vector_store %arg9[%swap3A_84], %masked_sort3A_59 {strides = array<i32>} : memref<32xi32, #tpu.memory_space<vmem>>, vector<16xi32>,
      %swap3A_86 = arith.constant 16 : index
      %swap3A_87 = tpu.vector_load %arg9[%swap3A_86] {strides = array<i32>} : memref<32xi32, #tpu.memory_space<vmem>>, vector<16xi32>,
      tpu.vector_store %arg9[%swap3A_86], %masked_sort3A_66 {strides = array<i32>} : memref<32xi32, #tpu.memory_space<vmem>>, vector<16xi32>,
      %gather3A = tpu.vector_load_idx %arg8[%select_n3A] : memref<32xf32, #tpu.memory_space<vmem>>[vector<16xi32>], vector<16xf32>,
      %gather3A_88 = tpu.vector_load_idx %arg9[%select_n3A] : memref<32xi32, #tpu.memory_space<vmem>>[vector<16xi32>], vector<16xi32>,
      %masked_sort3A_89 = arith.constant dense<true> : vector<16xi1>
      %masked_sort3A_90, %masked_sort3A_91, %masked_sort3A_92 = tpu.sort %gather3A, %gather3A_88 masked %masked_sort3A_89 {descending = true} : (vector<16xf32>, vector<16xi32>, vector<16xi1>) -> (vector<16xi1>, vector<16xf32>, vector<16xi32>)
      %swap3A_93 = arith.constant 0 : index
      %swap3A_94 = tpu.vector_load %arg8[%swap3A_93] {strides = array<i32>} : memref<32xf32, #tpu.memory_space<vmem>>, vector<16xf32>,
      tpu.vector_store %arg8[%swap3A_93], %masked_sort3A_72 {strides = array<i32>} : memref<32xf32, #tpu.memory_space<vmem>>, vector<16xf32>,
      %swap3A_95 = arith.constant 16 : index
      %swap3A_96 = tpu.vector_load %arg8[%swap3A_95] {strides = array<i32>} : memref<32xf32, #tpu.memory_space<vmem>>, vector<16xf32>,
      tpu.vector_store %arg8[%swap3A_95], %masked_sort3A_79 {strides = array<i32>} : memref<32xf32, #tpu.memory_space<vmem>>, vector<16xf32>,
      %swap3A_97 = arith.constant 0 : index
      %swap3A_98 = tpu.vector_load %arg9[%swap3A_97] {strides = array<i32>} : memref<32xi32, #tpu.memory_space<vmem>>, vector<16xi32>,
      tpu.vector_store %arg9[%swap3A_97], %masked_sort3A_73 {strides = array<i32>} : memref<32xi32, #tpu.memory_space<vmem>>, vector<16xi32>,
      %swap3A_99 = arith.constant 16 : index
      %swap3A_100 = tpu.vector_load %arg9[%swap3A_99] {strides = array<i32>} : memref<32xi32, #tpu.memory_space<vmem>>, vector<16xi32>,
      tpu.vector_store %arg9[%swap3A_99], %masked_sort3A_80 {strides = array<i32>} : memref<32xi32, #tpu.memory_space<vmem>>, vector<16xi32>,
      %gather3A_101 = tpu.vector_load_idx %arg8[%select_n3A] : memref<32xf32, #tpu.memory_space<vmem>>[vector<16xi32>], vector<16xf32>,
      %gather3A_102 = tpu.vector_load_idx %arg9[%select_n3A] : memref<32xi32, #tpu.memory_space<vmem>>[vector<16xi32>], vector<16xi32>,
      %masked_sort3A_103 = arith.constant dense<true> : vector<16xi1>
      %masked_sort3A_104, %masked_sort3A_105, %masked_sort3A_106 = tpu.sort %gather3A_101, %gather3A_102 masked %masked_sort3A_103 {descending = true} : (vector<16xf32>, vector<16xi32>, vector<16xi1>) -> (vector<16xi1>, vector<16xf32>, vector<16xi32>)
      %swap3A_107 = arith.constant 0 : index
      %swap3A_108 = tpu.vector_load %arg8[%swap3A_107] {strides = array<i32>} : memref<32xf32, #tpu.memory_space<vmem>>, vector<16xf32>,
      tpu.vector_store %arg8[%swap3A_107], %masked_sort3A_91 {strides = array<i32>} : memref<32xf32, #tpu.memory_space<vmem>>, vector<16xf32>,
      %swap3A_109 = arith.constant 16 : index
      %swap3A_110 = tpu.vector_load %arg8[%swap3A_109] {strides = array<i32>} : memref<32xf32, #tpu.memory_space<vmem>>, vector<16xf32>,
      tpu.vector_store %arg8[%swap3A_109], %masked_sort3A_105 {strides = array<i32>} : memref<32xf32, #tpu.memory_space<vmem>>, vector<16xf32>,
      %swap3A_111 = arith.constant 0 : index
      %swap3A_112 = tpu.vector_load %arg9[%swap3A_111] {strides = array<i32>} : memref<32xi32, #tpu.memory_space<vmem>>, vector<16xi32>,
      tpu.vector_store %arg9[%swap3A_111], %masked_sort3A_92 {strides = array<i32>} : memref<32xi32, #tpu.memory_space<vmem>>, vector<16xi32>,
      %swap3A_113 = arith.constant 16 : index
      %swap3A_114 = tpu.vector_load %arg9[%swap3A_113] {strides = array<i32>} : memref<32xi32, #tpu.memory_space<vmem>>, vector<16xi32>,
      tpu.vector_store %arg9[%swap3A_113], %masked_sort3A_106 {strides = array<i32>} : memref<32xi32, #tpu.memory_space<vmem>>, vector<16xi32>,
      %gather3A_115 = tpu.vector_load_idx %arg8[%select_n3A] : memref<32xf32, #tpu.memory_space<vmem>>[vector<16xi32>], vector<16xf32>,
      %gather3A_116 = tpu.vector_load_idx %arg9[%select_n3A] : memref<32xi32, #tpu.memory_space<vmem>>[vector<16xi32>], vector<16xi32>,
      %masked_sort3A_117 = arith.constant dense<true> : vector<16xi1>
      %masked_sort3A_118, %masked_sort3A_119, %masked_sort3A_120 = tpu.sort %gather3A_115, %gather3A_116 masked %masked_sort3A_117 {descending = true} : (vector<16xf32>, vector<16xi32>, vector<16xi1>) -> (vector<16xi1>, vector<16xf32>, vector<16xi32>)
      %reduce_max3A = arith.constant true
      %reduce_max3A_121 = vector.broadcast %reduce_max3A : i1 to vector<16xi1>
      %reduce_max3A_122 = tpu.scan <max>, %masked_sort3A_119 masked %reduce_max3A_121 : vector<16xf32>, vector<16xi1> -> vector<16xf32>
      %reduce_max3A_123 = vector.extract %reduce_max3A_122[15] : f32 from vector<16xf32>
      %swap3A_124 = arith.constant 0 : index
      %swap3A_125 = tpu.vector_load %arg8[%swap3A_124] {strides = array<i32>} : memref<32xf32, #tpu.memory_space<vmem>>, vector<16xf32>,
      tpu.vector_store %arg8[%swap3A_124], %masked_sort3A_119 {strides = array<i32>} : memref<32xf32, #tpu.memory_space<vmem>>, vector<16xf32>,
      %broadcast_in_dim3A = arith.constant 7 : i32
      %broadcast_in_dim3A_126 = vector.broadcast %broadcast_in_dim3A : i32 to vector<16xi32>
      %gather3A_127 = tpu.vector_load_idx %arg8[%broadcast_in_dim3A_126] : memref<32xf32, #tpu.memory_space<vmem>>[vector<16xi32>], vector<16xf32>,
      %sub3A = vector.broadcast %reduce_max3A_123 : f32 to vector<16xf32>
      %sub3A_128 = arith.subf %masked_sort3A_119, %sub3A : vector<16xf32>
      %exp3A = math.exp %sub3A_128 : vector<16xf32>
      %jit3A = arith.constant 1.000000e+00 : f32
      %jit3A_129 = arith.constant 0.000000e+00 : f32
      %broadcast_in_dim3A_130 = vector.broadcast %jit3A : f32 to vector<16xf32>
      %broadcast_in_dim3A_131 = vector.broadcast %jit3A_129 : f32 to vector<16xf32>
      %select_n3A_132 = arith.select %lt3A_2, %broadcast_in_dim3A_130, %broadcast_in_dim3A_131 : vector<16xi1>, vector<16xf32>
      %mul3A_133 = arith.mulf %exp3A, %select_n3A_132 : vector<16xf32>
      %reduce_sum3A = arith.constant true
      %reduce_sum3A_134 = vector.broadcast %reduce_sum3A : i1 to vector<16xi1>
      %reduce_sum3A_135 = tpu.scan <sum>, %mul3A_133 masked %reduce_sum3A_134 : vector<16xf32>, vector<16xi1> -> vector<16xf32>
      %reduce_sum3A_136 = vector.extract %reduce_sum3A_135[15] : f32 from vector<16xf32>
      %broadcast_in_dim3A_137 = arith.constant 0.000000e+00 : f32
      %broadcast_in_dim3A_138 = vector.broadcast %broadcast_in_dim3A_137 : f32 to vector<16xf32>
      %add3A_139 = vector.broadcast %reduce_sum3A_136 : f32 to vector<16xf32>
      %add3A_140 = arith.addf %broadcast_in_dim3A_138, %add3A_139 : vector<16xf32>
      %div3A = arith.constant 1.000000e+00 : f32
      %div3A_141 = vector.broadcast %div3A : f32 to vector<16xf32>
      %div3A_142 = arith.divf %div3A_141, %add3A_140 : vector<16xf32>
      %ge3A = arith.cmpf oge, %get3A_47, %gather3A_127 : vector<16xf32>
      %sub3A_143 = vector.broadcast %reduce_max3A_123 : f32 to vector<16xf32>
      %sub3A_144 = arith.subf %get3A_47, %sub3A_143 : vector<16xf32>
      %exp3A_145 = math.exp %sub3A_144 : vector<16xf32>
      %mul3A_146 = arith.mulf %exp3A_145, %div3A_142 : vector<16xf32>
      %jit3A_147 = arith.constant 0.000000e+00 : f32
      %broadcast_in_dim3A_148 = vector.broadcast %jit3A_147 : f32 to vector<16xf32>
      %select_n3A_149 = arith.select %ge3A, %mul3A_146, %broadcast_in_dim3A_148 : vector<16xi1>, vector<16xf32>
      %swap3A_150 = arith.index_cast %scan3A_45 : i32 to index
      %swap3A_151 = arith.constant 0 : index
      %swap3A_152 = tpu.vector_load %arg6[%swap3A_150, %swap3A_151] {strides = array<i32>} : memref<256x64xf32, #tpu.memory_space<vmem>>, vector<16xf32>,
      tpu.vector_store %arg6[%swap3A_150, %swap3A_151], %select_n3A_149 {strides = array<i32>} : memref<256x64xf32, #tpu.memory_space<vmem>>, vector<16xf32>,
      %ge3A_153 = arith.cmpf oge, %get3A_50, %gather3A_127 : vector<16xf32>
      %sub3A_154 = vector.broadcast %reduce_max3A_123 : f32 to vector<16xf32>
      %sub3A_155 = arith.subf %get3A_50, %sub3A_154 : vector<16xf32>
      %exp3A_156 = math.exp %sub3A_155 : vector<16xf32>
      %mul3A_157 = arith.mulf %exp3A_156, %div3A_142 : vector<16xf32>
      %jit3A_158 = arith.constant 0.000000e+00 : f32
      %broadcast_in_dim3A_159 = vector.broadcast %jit3A_158 : f32 to vector<16xf32>
      %select_n3A_160 = arith.select %ge3A_153, %mul3A_157, %broadcast_in_dim3A_159 : vector<16xi1>, vector<16xf32>
      %swap3A_161 = arith.index_cast %scan3A_45 : i32 to index
      %swap3A_162 = arith.constant 16 : index
      %swap3A_163 = tpu.vector_load %arg6[%swap3A_161, %swap3A_162] {strides = array<i32>} : memref<256x64xf32, #tpu.memory_space<vmem>>, vector<16xf32>,
      tpu.vector_store %arg6[%swap3A_161, %swap3A_162], %select_n3A_160 {strides = array<i32>} : memref<256x64xf32, #tpu.memory_space<vmem>>, vector<16xf32>,
      %ge3A_164 = arith.cmpf oge, %get3A_53, %gather3A_127 : vector<16xf32>
      %sub3A_165 = vector.broadcast %reduce_max3A_123 : f32 to vector<16xf32>
      %sub3A_166 = arith.subf %get3A_53, %sub3A_165 : vector<16xf32>
      %exp3A_167 = math.exp %sub3A_166 : vector<16xf32>
      %mul3A_168 = arith.mulf %exp3A_167, %div3A_142 : vector<16xf32>
      %jit3A_169 = arith.constant 0.000000e+00 : f32
      %broadcast_in_dim3A_170 = vector.broadcast %jit3A_169 : f32 to vector<16xf32>
      %select_n3A_171 = arith.select %ge3A_164, %mul3A_168, %broadcast_in_dim3A_170 : vector<16xi1>, vector<16xf32>
      %swap3A_172 = arith.index_cast %scan3A_45 : i32 to index
      %swap3A_173 = arith.constant 32 : index
      %swap3A_174 = tpu.vector_load %arg6[%swap3A_172, %swap3A_173] {strides = array<i32>} : memref<256x64xf32, #tpu.memory_space<vmem>>, vector<16xf32>,
      tpu.vector_store %arg6[%swap3A_172, %swap3A_173], %select_n3A_171 {strides = array<i32>} : memref<256x64xf32, #tpu.memory_space<vmem>>, vector<16xf32>,
      %ge3A_175 = arith.cmpf oge, %get3A_56, %gather3A_127 : vector<16xf32>
      %sub3A_176 = vector.broadcast %reduce_max3A_123 : f32 to vector<16xf32>
      %sub3A_177 = arith.subf %get3A_56, %sub3A_176 : vector<16xf32>
      %exp3A_178 = math.exp %sub3A_177 : vector<16xf32>
      %mul3A_179 = arith.mulf %exp3A_178, %div3A_142 : vector<16xf32>
      %jit3A_180 = arith.constant 0.000000e+00 : f32
      %broadcast_in_dim3A_181 = vector.broadcast %jit3A_180 : f32 to vector<16xf32>
      %select_n3A_182 = arith.select %ge3A_175, %mul3A_179, %broadcast_in_dim3A_181 : vector<16xi1>, vector<16xf32>
      %swap3A_183 = arith.index_cast %scan3A_45 : i32 to index
      %swap3A_184 = arith.constant 48 : index
      %swap3A_185 = tpu.vector_load %arg6[%swap3A_183, %swap3A_184] {strides = array<i32>} : memref<256x64xf32, #tpu.memory_space<vmem>>, vector<16xf32>,
      tpu.vector_store %arg6[%swap3A_183, %swap3A_184], %select_n3A_182 {strides = array<i32>} : memref<256x64xf32, #tpu.memory_space<vmem>>, vector<16xf32>,
      %broadcast_in_dim3A_186 = arith.constant 0 : i32
      %broadcast_in_dim3A_187 = vector.broadcast %broadcast_in_dim3A_186 : i32 to vector<16xi32>
      %add3A_188 = vector.broadcast %scan3A_45 : i32 to vector<16xi32>
      %add3A_189 = arith.addi %broadcast_in_dim3A_187, %add3A_188 : vector<16xi32>
      tpu.vector_store_idx %arg7[%add3A_189, %iota3A], %masked_sort3A_120 masked %lt3A_2 : memref<256x8xi32, #tpu.memory_space<vmem>>[vector<16xi32>, vector<16xi32>], vector<16xi32>, vector<16xi1>
    }
    %scan3A_44 = arith.constant 256 : i32
    "tpu.region"() ({
      %run_scoped3A = tpu.sem_alloc : memref<!tpu.dma_semaphore, #tpu.memory_space<semaphore_mem>>
      %dma_start3A = arith.constant 0 : i32
      %dma_start3A_45 = tpu.memref_slice %arg3[%add3A_38, %dma_start3A] : memref<32768x64xf32, #tpu.memory_space<hbm>> -> memref<256x64xf32, #tpu.memory_space<hbm>>
      %dma_start3A_46 = arith.constant 0 : i32
      %dma_start3A_47 = tpu.memref_slice %arg3[%add3A_38, %dma_start3A_46] : memref<32768x64xf32, #tpu.memory_space<hbm>> -> memref<256x64xf32, #tpu.memory_space<hbm>>
      tpu.enqueue_dma source(%arg6 : memref<256x64xf32, #tpu.memory_space<vmem>>) target(%dma_start3A_47 : memref<256x64xf32, #tpu.memory_space<hbm>>) target_semaphore(%run_scoped3A : memref<!tpu.dma_semaphore, #tpu.memory_space<semaphore_mem>>)
      %dma_wait3A = arith.constant 0 : i32
      %dma_wait3A_48 = tpu.memref_slice %arg3[%add3A_38, %dma_wait3A] : memref<32768x64xf32, #tpu.memory_space<hbm>> -> memref<256x64xf32, #tpu.memory_space<hbm>>
      %dma_wait3A_49 = arith.constant 0 : i32
      %dma_wait3A_50 = tpu.memref_slice %arg3[%add3A_38, %dma_wait3A_49] : memref<32768x64xf32, #tpu.memory_space<hbm>> -> memref<256x64xf32, #tpu.memory_space<hbm>>
      tpu.wait_dma2 semaphore(%run_scoped3A : memref<!tpu.dma_semaphore, #tpu.memory_space<semaphore_mem>>) src(%arg6 : memref<256x64xf32, #tpu.memory_space<vmem>>) dst(%dma_wait3A_50 : memref<256x64xf32, #tpu.memory_space<hbm>>)
      tpu.yield
    }) : () -> ()
    "tpu.region"() ({
      %run_scoped3A = tpu.sem_alloc : memref<!tpu.dma_semaphore, #tpu.memory_space<semaphore_mem>>
      %dma_start3A = arith.constant 0 : i32
      %dma_start3A_45 = tpu.memref_slice %arg4[%add3A_38, %dma_start3A] : memref<32768x8xi32, #tpu.memory_space<hbm>> -> memref<256x8xi32, #tpu.memory_space<hbm>>
      %dma_start3A_46 = arith.constant 0 : i32
      %dma_start3A_47 = tpu.memref_slice %arg4[%add3A_38, %dma_start3A_46] : memref<32768x8xi32, #tpu.memory_space<hbm>> -> memref<256x8xi32, #tpu.memory_space<hbm>>
      tpu.enqueue_dma source(%arg7 : memref<256x8xi32, #tpu.memory_space<vmem>>) target(%dma_start3A_47 : memref<256x8xi32, #tpu.memory_space<hbm>>) target_semaphore(%run_scoped3A : memref<!tpu.dma_semaphore, #tpu.memory_space<semaphore_mem>>)
      %dma_wait3A = arith.constant 0 : i32
      %dma_wait3A_48 = tpu.memref_slice %arg4[%add3A_38, %dma_wait3A] : memref<32768x8xi32, #tpu.memory_space<hbm>> -> memref<256x8xi32, #tpu.memory_space<hbm>>
      %dma_wait3A_49 = arith.constant 0 : i32
      %dma_wait3A_50 = tpu.memref_slice %arg4[%add3A_38, %dma_wait3A_49] : memref<32768x8xi32, #tpu.memory_space<hbm>> -> memref<256x8xi32, #tpu.memory_space<hbm>>
      tpu.wait_dma2 semaphore(%run_scoped3A : memref<!tpu.dma_semaphore, #tpu.memory_space<semaphore_mem>>) src(%arg7 : memref<256x8xi32, #tpu.memory_space<vmem>>) dst(%dma_wait3A_50 : memref<256x8xi32, #tpu.memory_space<hbm>>)
      tpu.yield
    }) : () -> ()
    return
  }
}

module attributes {stable_mosaic.version = 14 : i64} {
  func.func @_mm_block(%arg0: i32, %arg1: memref<512x4096xf32, #tpu.memory_space<vmem>>, %arg2: memref<4096x64xf32, #tpu.memory_space<vmem>>, %arg3: memref<1x64xf32, #tpu.memory_space<vmem>>, %arg4: memref<512x64xf32, #tpu.memory_space<vmem>>) attributes {dimension_semantics = [#tpu.dimension_semantics<arbitrary>], iteration_bounds = array<i64: 64>, scalar_prefetch = 0 : i64, scratch_operands = 0 : i64, tpu.core_type = #tpu.core_type<tc>, window_params = [{transform_indices = @transform_0, window_bounds = array<i64: 512, 4096>}, {pipeline_mode = #tpu.pipeline_mode<synchronous>, transform_indices = @transform_1, window_bounds = array<i64: 4096, 64>}, {pipeline_mode = #tpu.pipeline_mode<synchronous>, transform_indices = @transform_2, window_bounds = array<i64: 1, 64>}, {transform_indices = @transform_3, window_bounds = array<i64: 512, 64>}]} {
    %get3A = arith.constant 0 : index
    %get3A_0 = arith.constant 0 : index
    %get3A_1 = vector.load %arg1[%get3A, %get3A_0] : memref<512x4096xf32, #tpu.memory_space<vmem>>, vector<512x4096xf32>
    %get3A_2 = arith.constant 0 : index
    %get3A_3 = arith.constant 0 : index
    %get3A_4 = vector.load %arg2[%get3A_2, %get3A_3] : memref<4096x64xf32, #tpu.memory_space<vmem>>, vector<4096x64xf32>
    %dot_general3A = arith.constant dense<0.000000e+00> : vector<512x64xf32>
    %dot_general3A_5 = tpu.matmul %get3A_1, %get3A_4, %dot_general3A {dimension_numbers = #tpu.dot_dimension_numbers<[1], [0], [0], [1], [0, 0, 1, 1], [], []>, transpose_lhs_hint = false} : vector<512x4096xf32>, vector<4096x64xf32>, vector<512x64xf32> -> vector<512x64xf32>
    %get3A_6 = arith.constant 0 : index
    %get3A_7 = arith.constant 0 : index
    %get3A_8 = vector.load %arg3[%get3A_6, %get3A_7] : memref<1x64xf32, #tpu.memory_space<vmem>>, vector<1x64xf32>
    %add3A = vector.broadcast %get3A_8 : vector<1x64xf32> to vector<512x64xf32>
    %add3A_9 = arith.addf %dot_general3A_5, %add3A : vector<512x64xf32>
    %swap3A = arith.constant 0 : index
    %swap3A_10 = arith.constant 0 : index
    %swap3A_11 = vector.load %arg4[%swap3A, %swap3A_10] : memref<512x64xf32, #tpu.memory_space<vmem>>, vector<512x64xf32>
    tpu.vector_store %arg4[%swap3A, %swap3A_10], %add3A_9 {strides = array<i32>} : memref<512x64xf32, #tpu.memory_space<vmem>>, vector<512x64xf32>,
    return
  }
  func.func @transform_0(%arg0: i32) -> (i32, i32) {
    %c0_i32 = arith.constant 0 : i32
    %c0_i32_0 = arith.constant 0 : i32
    return %arg0, %c0_i32 : i32, i32
  }
  func.func @transform_1(%arg0: i32) -> (i32, i32) {
    %c0_i32 = arith.constant 0 : i32
    %c0_i32_0 = arith.constant 0 : i32
    %c0_i32_1 = arith.constant 0 : i32
    return %c0_i32, %c0_i32_0 : i32, i32
  }
  func.func @transform_2(%arg0: i32) -> (i32, i32) {
    %c0_i32 = arith.constant 0 : i32
    %c0_i32_0 = arith.constant 0 : i32
    %c0_i32_1 = arith.constant 0 : i32
    return %c0_i32, %c0_i32_0 : i32, i32
  }
  func.func @transform_3(%arg0: i32) -> (i32, i32) {
    %c0_i32 = arith.constant 0 : i32
    %c0_i32_0 = arith.constant 0 : i32
    return %arg0, %c0_i32 : i32, i32
  }
}

</mosaic_0001>

<sc_bundles>
// kernel: kernel.4.cloned.1.call-start
scs
__scs_entry_jumppad:
0x0: {  	(pc) =	sbr.rel $0x88, $3  }
0x1: {  	(tag) =	ssettag $0x0;
	lr =	simm.s32 $0x1  }
0x2: {  	[smem:$0x3F9E] =	sst lr;
	_ =	strace $0xD0000000  }
0x3: {  	_ = 	snop  }
0x4: {  	_ = 	snop  }
0x5: {  	_ = 	snop  }
0x6: {  	_ = 	snop  }
0x7: {  	_ = 	snop  }
__scs_overlays_trampoline_lowered:
0x8: {  	[smem:$0x3FAD] =	sst s0  }
0x9: {  	[smem:$0x3FAE] =	sst s1  }
0xa: {  	[smem:$0x3FAF] =	sst s2  }
0xb: {  	[smem:$0x3FB0] =	sst s3  }
0xc: {  	[smem:$0x3FB1] =	sst s4  }
0xd: {  	[smem:$0x3FB2] =	sst s5  }
0xe: {  	[smem:$0x3FB3] =	sst s6  }
0xf: {  	[smem:$0x3FB4] =	sst s7  }
0x10: {  	[smem:$0x3FB5] =	sst s8  }
0x11: {  	[smem:$0x3FB6] =	sst s9;
	s0 =	simm.s32 @!p0 $0x0  }
0x12: {  	s1 =	sld [smem:$0x3F9C];
	s0 =	simm.s32 @p0 $0x1  }
0x13: {  	[smem:$0x3FB7] =	sst s0;
	s0 =	simm.s32 @!p1 $0x0  }
0x14: {  	s2 =	sld [smem:$0x3F9B];
	s0 =	simm.s32 @p1 $0x1  }
0x15: {  	[smem:$0x3FB8] =	sst s0;
	s0 =	simm.s32 @!p2 $0x0  }
0x16: {  	s3 =	sld [smem:$0x3FDB];
	s0 =	simm.s32 @p2 $0x1  }
0x17: {  	s4 =	simm.s32 $0x1BF5;
	[smem:$0x3FBA] =	sst s0  }
0x18: {  	s0 =	sld [smem:$0x3F9D];
	_ =	swait.ge [sflag:s4], $0x0  }
0x19: {  	s7 =	sld [smem:$0x3F9E]  }
0x1a: {  	s8 =	sadd.s32 $0xFFFFE003, lr  }
0x1b: {  	s9 =	sadd.s32 $0xFFFFFEF7, lr;
	s5 =	simm.s32 $0xFFFFFFFF;
	p2 =	slt.u32 s8, $0xFFFFF086  }
0x1c: {  	p1 =	slt.u32 s9, $0xF7A;
	s5 =	simm.s32 @!p2 $0x0  }
0x1d: {  	s5 =	simm.s32 @p1 $0x1;
	p0 =	seq.s32 s7, s2  }
0x1e: {  	s7 =	smul.u32 @!p0 $0xF7A, s2;
	p2 =	seq.s32 @!p0 s5, $0x0  }
0x1f: {  	s9 =	smul.u32 $0xF7A, s1;
	s8 =	simm.s32 @!p0 $0x1BF5;
	p2 =	por !p2, p0  }
0x20: {  	[sflag:s8] =	ssyncset.s32 @!p0 $0xFFFFF086;
	s6 =	sadd.s32 @!p0 s3, s7;
	s7 =	simm.s32 @!p0 $0x108  }
0x21: {  	s3 =	sadd.s32 s3, s9;
	s6 =	sadd.s32 @!p0 $0x88, s6;
	s7 =	simm.s32 @p2 $0x1082  }
0x22: {  	[simem:s7], [sflag:s8] =	dma.local @!p0 [hbm:s6], $0xF7A  }
0x23: {  	s9 =	sor.u32 $0xD0000000, s2;
	s6 =	simm.s32 $0x108;
	_ =	swait.ge @!p0 [sflag:s8], $0x0  }
0x24: {  	s3 =	sadd.s32 $0x88, s3;
	s6 =	simm.s32 @!p1 $0x1082;
	[sflag:s4] =	ssyncset.s32 $0xFFFFF086  }
0x25: {  	[simem:s6], [sflag:s4] =	dma.local [hbm:s3], $0xF7A  }
0x26: {  	[smem:$0x3F9E] =	sst s1;
	(tag) =	ssettag s2;
	_ =	strace s9  }
0x27: {  	s1 =	sld [smem:$0x3FAE]  }
0x28: {  	s2 =	sld [smem:$0x3FAF]  }
0x29: {  	s4 =	sld [smem:$0x3FB1]  }
0x2a: {  	p0 =	seq.s32 s5, $0x0;
	s5 =	sld [smem:$0x3FB2]  }
0x2b: {  	s6 =	sld [smem:$0x3FB3]  }
0x2c: {  	s7 =	sld [smem:$0x3FB4]  }
0x2d: {  	s3 =	simm.s32 $0x108;
	s8 =	sld [smem:$0x3FB5]  }
0x2e: {  	s3 =	simm.s32 @!p0 $0x1082;
	s9 =	sld [smem:$0x3FB6]  }
0x2f: {  	lr =	sadd.s32 s0, s3;
	s0 =	sld [smem:$0x3FAD]  }
0x30: {  	s3 =	sld [smem:$0x3FB0]  }
0x31: {  	[smem:$0x3FB9] =	sst s10  }
0x32: {  	s10 =	sld [smem:$0x3FB7];
	_ =	sdelay $0x3  }
0x33: {  	p0 =	seq.s32 s10, $0x1;
	s10 =	sld [smem:$0x3FB9];
	_ =	sdelay $0x3  }
0x34: {  	[smem:$0x3FB9] =	sst s10  }
0x35: {  	s10 =	sld [smem:$0x3FB8];
	_ =	sdelay $0x3  }
0x36: {  	p1 =	seq.s32 s10, $0x1;
	s10 =	sld [smem:$0x3FB9];
	_ =	sdelay $0x3  }
0x37: {  	[smem:$0x3FB9] =	sst s10  }
0x38: {  	s10 =	sld [smem:$0x3FBA]  }
0x39: {  	_ = 	snop;
	(pc) =	sbr.ind lr, $3  }
0x3a: {  	_ = 	snop  }
0x3b: {  	_ = 	snop  }
0x3c: {  	p2 =	seq.s32 s10, $0x1;
	s10 =	sld [smem:$0x3FB9]  }
0x3d: {  	_ =	shalt  }
0x3e: {  	_ =	shalt  }
0x3f: {  	_ =	shalt  }
0x40: {  	_ =	shalt  }
0x41: {  	_ =	shalt  }
0x42: {  	_ =	shalt  }
0x43: {  	_ =	shalt  }
0x44: {  	_ =	shalt  }
0x45: {  	_ =	shalt  }
0x46: {  	_ =	shalt  }
0x47: {  	_ =	shalt  }
0x48: {  	_ =	shalt  }
0x49: {  	_ =	shalt  }
0x4a: {  	_ =	shalt  }
0x4b: {  	_ =	shalt  }
0x4c: {  	_ =	shalt  }
0x4d: {  	_ =	shalt  }
0x4e: {  	_ =	shalt  }
0x4f: {  	_ =	shalt  }
0x50: {  	_ =	shalt  }
0x51: {  	_ =	shalt  }
0x52: {  	_ =	shalt  }
0x53: {  	_ =	shalt  }
0x54: {  	_ =	shalt  }
0x55: {  	_ =	shalt  }
0x56: {  	_ =	shalt  }
0x57: {  	_ =	shalt  }
0x58: {  	_ =	shalt  }
0x59: {  	_ =	shalt  }
0x5a: {  	_ =	shalt  }
0x5b: {  	_ =	shalt  }
0x5c: {  	_ =	shalt  }
0x5d: {  	_ =	shalt  }
0x5e: {  	_ =	shalt  }
0x5f: {  	_ =	shalt  }
0x60: {  	_ =	shalt  }
0x61: {  	_ =	shalt  }
0x62: {  	_ =	shalt  }
0x63: {  	_ =	shalt  }
0x64: {  	_ =	shalt  }
0x65: {  	_ =	shalt  }
0x66: {  	_ =	shalt  }
0x67: {  	_ =	shalt  }
0x68: {  	_ =	shalt  }
0x69: {  	_ =	shalt  }
0x6a: {  	_ =	shalt  }
0x6b: {  	_ =	shalt  }
0x6c: {  	_ =	shalt  }
0x6d: {  	_ =	shalt  }
0x6e: {  	_ =	shalt  }
0x6f: {  	_ =	shalt  }
0x70: {  	_ =	shalt  }
0x71: {  	_ =	shalt  }
0x72: {  	_ =	shalt  }
0x73: {  	_ =	shalt  }
0x74: {  	_ =	shalt  }
0x75: {  	_ =	shalt  }
0x76: {  	_ =	shalt  }
0x77: {  	_ =	shalt  }
0x78: {  	_ =	shalt  }
0x79: {  	_ =	shalt  }
0x7a: {  	_ =	shalt  }
0x7b: {  	_ =	shalt  }
0x7c: {  	_ =	shalt  }
0x7d: {  	_ =	shalt  }
0x7e: {  	_ =	shalt  }
0x7f: {  	_ =	shalt  }
0x80: {  	_ =	shalt  }
0x81: {  	_ =	shalt  }
0x82: {  	_ =	shalt  }
0x83: {  	_ =	shalt  }
0x84: {  	_ =	shalt  }
0x85: {  	_ =	shalt  }
0x86: {  	_ =	shalt  }
0x87: {  	_ =	shalt  }
.Lfunc_end0:
.L_simem_size_0:
called_computation_lowered:
.L_overlay_start_0:
0x88: {  	s2 =	sld [smem:$0x3FD9]  }
0x89: {  	s3 =	sld [smem:$0x3FFE];
	_ =	sdelay $0x1  }
0x8a: {  	s1 =	srdreg.scid  }
0x8b: {  	s0 =	sand.u32 $0x1, s1  }
0x8c: {  	s16 =	sshll.u32 s0, $0xA;
	s2 =	sadd.s32 s3, s2  }
0x8d: {  	s2 =	sadd.s32 s2, s16  }
0x8e: {  	[smem:$0x3FC5] =	sst s2  }
0x8f: {  	_ = 	snop  }
0x90: {  	(tm) =	ssettm $0x1  }
0x91: {  	s17 =	sld [smem:$0x3FFB];
	_ =	sdelay $0x3  }
0x92: {  	_ =	strace s17  }
0x93: {  	s2 =	sld [smem:$0x3FFC];
	_ =	sdelay $0x3  }
0x94: {  	_ =	strace s2  }
0x95: {  	s2 =	sld [smem:$0x3FFD];
	_ =	sdelay $0x3  }
0x96: {  	_ =	strace s2  }
0x97: {  	_ =	strace $0x8FFFFFFF  }
0x98: {  	s18 =	sld [smem:$0x3FDB];
	_ =	sdelay $0x1  }
0x99: {  	s19 =	simm.s32 $_scs_section_size  }
0x9a: {  	s4 =	simm.s32 $_size__tile_overlayer_lowered;
	s5 =	simm.s32 $_tile_overlayer_lowered  }
0x9b: {  	s22 =	simm.s32 $0x1BFF;
	s21 =	sshll.u32 s5, $0x1;
	s2 =	sadd.s32 s19, s18  }
0x9c: {  	s6 =	simm.s32 $0x0;
	s20 =	sshll.u32 s4, $0x1;
	s4 =	sadd.s32 s21, s2  }
0x9d: {  	[timem:s6], [sflag:s22] =	dma.local [hbm:s4], s20  }
0x9e: {  	_ =	swait.ge [sflag:s22], s20  }
0x9f: {  	s3 =	ssub.s32 $0x0, s20;
	[sflag:s22] =	ssyncset.done $0x0  }
0xa0: {  	[sflag:s22] =	ssyncadd.s32 s3;
	_ =	sdelay $0x1  }
0xa1: {  	s23 =	simm.s32 $0x1B8B  }
0xa2: {  	_ =	swait.ge [sflag:s23], $0x1  }
0xa3: {  	[sflag:s23] =	ssyncset.done $0x0  }
0xa4: {  	s25 =	simm.s32 $0x1B8E;
	s24 =	sld [smem:$0x3FFE];
	[sflag:s23] =	ssyncadd.s32 $0xFFFFFFFF  }
0xa5: {  	s26 =	simm.s32 $execute0_lowered;
	[smem:$0x3FD2] =	sst s25  }
0xa6: {  	s4 =	sshll.u32 s26, $0x1;
	_ =	strace $0x80000046;
	[dreg:$0x1] =	wrdreg $0xFFFFFFFF  }
0xa7: {  	s28 =	simm.s32 $_size_execute0_lowered;
	s2 =	sadd.s32 s2, s4;
	[dreg:$0x0] =	wrdreg $0x0  }
0xa8: {  	s4 =	sshll.u32 s28, $0x1;
	[dreg:$0x2] =	wrdreg s2  }
0xa9: {  	[dreg:$0x3] =	wrdreg s4  }
0xaa: {  	[dreg:$0x4] =	wrdreg $0xC0  }
0xab: {  	_ =	task [dreg:s6], $0x5FFFF  }
0xac: {  	[dreg:$0x1] =	wrdreg $0xFFFFFFFF  }
0xad: {  	[dreg:$0x0] =	wrdreg $0x60  }
0xae: {  	[dreg:$0x2] =	wrdreg s24  }
0xaf: {  	[dreg:$0x3] =	wrdreg $0x9  }
0xb0: {  	_ =	task.clear_ibuf [dreg:s6], $0x4FFFF;
	_ =	strace $0x90000046  }
0xb1: {  	s29 =	simm.s32 $0x9;
	_ =	strace $0x80000048  }
0xb2: {  	_ =	swait.ge [sflag:s29], $0x1  }
0xb3: {  	[sflag:s29] =	ssyncadd.s32 $0xFFFFFFFF  }
0xb4: {  	_ =	strace $0x90000048  }
0xb5: {  	_ =	sfence  }
0xb6: {  	s30 =	sld [smem:$0x0];
	_ =	sdelay $0x2  }
0xb7: {  	s31 =	sshll.u32 s1, $0xD;
	s1 =	sshrl.u32 s1, $0x2  }
0xb8: {  	s3 =	sand.u32 $0x4000, s31;
	s1 =	sadd.s32 s1, s30  }
0xb9: {  	s0 =	sor.u32 s3, s0;
	s1 =	sshll.u32 s1, $0x11  }
0xba: {  	s0 =	sor.u32 s1, s0  }
0xbb: {  	s0 =	sadd.s32 $0x8F2B, s0  }
0xbc: {  	[sflag:s0] =	ssyncadd.remote.s32 $0x1  }
0xbd: {  	_ =	sfence.sel $0xFFFF  }
0xbe: {  	[dreg:$0x0] =	wrdreg $0xFFFFFFFF;
	(pc) =	sbr.abs _section_cstart, $3  }
0xbf: {  	[dreg:$0x1] =	wrdreg $0xFFFFFFFF  }
0xc0: {  	_ =	task.clear_ibuf [dreg:s6], $0x2FFFF;
	_ =	strace $0x9FFFFFFF  }
0xc1: {  	(tm) =	ssettm $0x7FFFFFFF  }
tec
execute0_lowered:
.L_overlay_start_1:
0x0: {  	(tag) =	ssettag $0x1  }
0x1: {  	s3 =	rddreg [dreg:$0x0]  }
0x2: {  	s0 =	rddreg [dreg:$0x1];
	s1 =	simm.s32 $0x0  }
0x3: {  	s4 =	srdreg.scid;
	s2 =	stileid.u32;
	s17 =	simm.s32 $0x18000  }
0x4: {  	s18 =	simm.s32 $0x18080;
	s19 =	simm.s32 $0x10000;
	s20 =	simm.s32 $0x8000  }
0x5: {  	s21 =	simm.s32 $0x0;
	[smem:$0x7FF] =	sst s1;
	s12 =	sadd.s32 $0xE00, s3  }
0x6: {  	s4 =	sand.u32 $0x1, s4;
	s6 =	sshll.u32 s2, $0xF;
	s13 =	sadd.s32 $0x80E00, s3  }
0x7: {  	s14 =	sadd.s32 $0x100E00, s3;
	s5 =	ssub.s32 $0x2, s4;
	s4 =	sshll.u32 s4, $0xE  }
0x8: {  	_ =	strace $0x80000047;
	s7 =	sshrl.u32 s5, $0x1;
	s10 =	sor.u32 s4, s6  }
0x9: {  	v0 =	vlaneseq.u32;
	v2 =	vimm.s32 $0x76543210;
	v3 =	vimm.s32 $0x13121110;
	s15 =	ssub.s32 s5, s7;
	s3 =	sadd.s32 s12, s10;
	s4 =	sadd.s32 s13, s10  }
0xa: {  	v4 =	vimm.s32 $0x17161514;
	vm0 =	vcmask $0x1F10;
	v5 =	vunpack.c.l.s4.s8 v2;
	s5 =	sadd.s32 s14, s10;
	s8 =	sor.u32 $0x1000, s10;
	s11 =	sor.u32 $0x2000, s10  }
0xb: {  	vm15 =	vcmask $0x1F00;
	v6 =	vunpack.c.0.s8.s32 v3;
	v4 =	vunpack.c.0.s8.s32 v4;
	s16 =	sor.u32 $0x3000, s10;
	s6 =	sadd.s32 s12, s8;
	s7 =	sadd.s32 s13, s8  }
0xc: {  	v1 =	vor.u32 $0x10, v0;
	v2 =	vor.u32 $0x20, v0;
	v5 =	vunpack.c.0.s8.s32 v5;
	s8 =	sadd.s32 s14, s8;
	s9 =	sadd.s32 s12, s11;
	s10 =	sadd.s32 s13, s11  }
0xd: {  	v3 =	vor.u32 $0x30, v0;
	v4 =	vsel vm0, v4, v6;
	v6 =	vimm.f32 $0.0e+00;
	s11 =	sadd.s32 s14, s11;
	s12 =	sadd.s32 s12, s16;
	s13 =	sadd.s32 s13, s16  }
0xe: {  	v6 =	vsel vm15, $0x3F800000, v6;
	s14 =	sadd.s32 s14, s16;
	s15 =	smax.u32 s15, $0x1;
	s16 =	simm.s32 $0x1;
	v4 =	vcombine.low v5, v4;
	v5 =	vimm.s32 $0x7  }
.LBB2_1:
0xf: {  	[tilespmem:s1], [sflag:$0x1] =	stream.linear.gather [hbm4b:s3+s1], $0x8000, $0x38;
	[tilespmem:$0x18100] =	vst v63  }
0x10: {  	_ =	swait.ge [sflag:s16], $0x8000  }
0x11: {  	[sflag:s16] =	ssyncset.done $0x0  }
0x12: {  	s22 =	simm.s32 $0x20;
	[sflag:s16] =	ssyncadd.s32 $0xFFFF8000  }
0x13: {  	v8 =	vld [tilespmem:s22+$0xFFFFFFF0];
	_ =	sdelay $0x1  }
0x14: {  	v9 =	vld [tilespmem:s22+$0xFFFFFFE0];
	_ =	sdelay $0x2  }
0x15: {  	v10 =	vld [tilespmem:s22+$0x10];
	(xrf1) =	vsort.dscd.msk.f32 $0xffff, v8, v1;
	_ =	sdelay $0x1  }
0x16: {  	v11 =	vld [tilespmem:s22+$0x0];
	(xrf1) =	vsort.dscd.msk.f32 $0xffff, v9, v0;
	_ =	sdelay $0x2  }
0x17: {  	(xrf1) =	vsort.dscd.msk.f32 $0xffff, v10, v3;
	_ =	sdelay $0x1  }
0x18: {  	(xrf1) =	vsort.dscd.msk.f32 $0xffff, v11, v2;
	_ =	sdelay $0x6  }
0x19: {  	v7, v12, _ =	vpop (xrf1)  }
0x1a: {  	[tilespmem:$0x18090] =	vst v12  }
0x1b: {  	v54, v13, _ =	vpop (xrf1);
	[tilespmem:$0x18010] =	vst v7  }
0x1c: {  	[tilespmem:$0x18080] =	vst v13  }
0x1d: {  	[tilespmem:$0x18000] =	vst v54  }
0x1e: {  	v55, v14, _ =	vpop (xrf1);
	v7 =	vld.idx.msk [tilespmem:v4+s17+$0x0], $0xffff  }
0x1f: {  	v12 =	vld.idx.msk [tilespmem:v4+s18+$0x0], $0xffff;
	[tilespmem:$0x18090] =	vst v14  }
0x20: {  	v56, v15, _ =	vpop (xrf1);
	[tilespmem:$0x18010] =	vst v55  }
0x21: {  	[tilespmem:$0x18080] =	vst v15  }
0x22: {  	[tilespmem:$0x18000] =	vst v56  }
0x23: {  	v13 =	vld.idx.msk [tilespmem:v4+s17+$0x0], $0xffff  }
0x24: {  	v14 =	vld.idx.msk [tilespmem:v4+s18+$0x0], $0xffff;
	_ =	sdelay $0x2  }
0x25: {  	(xrf1) =	vsort.dscd.msk.f32 $0xffff, v7, v12;
	_ =	sdelay $0x1  }
0x26: {  	(xrf1) =	vsort.dscd.msk.f32 $0xffff, v13, v14;
	_ =	sdelay $0xb  }
0x27: {  	v7, v12, _ =	vpop (xrf1)  }
0x28: {  	[tilespmem:$0x18000] =	vst v7  }
0x29: {  	[tilespmem:$0x18080] =	vst v12;
	v7, v57, _ =	vpop (xrf1)  }
0x2a: {  	[tilespmem:$0x18010] =	vst v7  }
0x2b: {  	[tilespmem:$0x18090] =	vst v57  }
0x2c: {  	v7 =	vld.idx.msk [tilespmem:v4+s17+$0x0], $0xffff  }
0x2d: {  	v12 =	vld.idx.msk [tilespmem:v4+s18+$0x0], $0xffff;
	_ =	sdelay $0x4  }
0x2e: {  	(xrf1) =	vsort.dscd.msk.f32 $0xffff, v7, v12;
	_ =	sdelay $0xd  }
0x2f: {  	v12, v7, _ =	vpop (xrf1)  }
0x30: {  	(xrf0) =	vmax.scan.msk.f32 $0xffff, v12;
	_ =	sdelay $0x5  }
0x31: {  	v58, _, _ =	vpop (xrf0)  }
0x32: {  	v13 =	vbroadcast v58, $0xF;
	_ =	sdelay $0x1  }
0x33: {  	v59 =	vsub.f32 v12, v13;
	_ =	sdelay $0x1  }
0x34: {  	v14 =	vmul.f32 $1.442695020e+00, v59;
	_ =	sdelay $0x1  }
0x35: {  	(erf) = vpow2.f32 v14;
	_ =	sdelay $0x8  }
0x36: {  	v14 =	vpop (erf)  }
0x37: {  	v14 =	vmul.f32 v6, v14;
	_ =	sdelay $0x1  }
0x38: {  	(xrf2) =	vadd.scan.msk.f32 $0xffff, v14;
	_ =	sdelay $0x7  }
0x39: {  	v60 =	vsub.f32 v11, v13  }
0x3a: {  	[tilespmem:$0x18000] =	vst v12;
	v61 =	vsub.f32 v9, v13  }
0x3b: {  	v15 =	vld.idx.msk [tilespmem:v5+s17+$0x0], $0xffff;
	v16 =	vsub.f32 v8, v13;
	v14 =	vmul.f32 $1.442695020e+00, v60;
	v17, _, _ =	vpop (xrf2)  }
0x3c: {  	v12 =	vmul.f32 $1.442695020e+00, v61;
	v17 =	vadd.f32 $0.0e+00, v17  }
0x3d: {  	v13 =	vsub.f32 v10, v13;
	v62 =	vmul.f32 $1.442695020e+00, v16;
	(erf) = vpow2.f32 v14  }
0x3e: {  	(erf) = vpow2.f32 v12;
	v63 =	vbroadcast v17, $0xF  }
0x3f: {  	v13 =	vmul.f32 $1.442695020e+00, v13;
	(erf) = vpow2.f32 v62  }
0x40: {  	s24 =	simm.s32 $0x8020;
	vm2 =	vge.f32 v9, v15;
	vm1 =	vge.f32 v8, v15;
	(erf) = vrcp.f32 v63  }
0x41: {  	s26 =	simm.s32 $0x1;
	s25 =	simm.s32 $0x0;
	s23 =	simm.s32 $0x8020;
	vm0 =	vge.f32 v11, v15;
	vm3 =	vge.f32 v10, v15;
	(erf) = vpow2.f32 v13  }
.LBB2_2:
0x42: {  	_ =	sdelay $0x1  }
0x43: {  	p0 =	sne.s32 s26, $0xFF;
	s22 =	sadd.s32 $0x80, s22;
	s24 =	sadd.s32 $0x80, s24  }
0x44: {  	s28 =	smov.u32 s26;
	s26 =	sadd.s32 $0x1, s26  }
0x45: {  	v8 =	vpop (erf)  }
0x46: {  	v9 =	vpop (erf)  }
0x47: {  	v10 =	vpop (erf)  }
0x48: {  	v11 =	vpop (erf)  }
0x49: {  	s29 =	sshll.u32 s25, $0x7;
	s25 =	smov.u32 s28;
	v9 =	vmul.f32 v11, v9;
	v10 =	vmul.f32 v11, v10;
	v12 =	vpop (erf)  }
0x4a: {  	v8 =	vmul.f32 v11, v8;
	v11 =	vmul.f32 v11, v12;
	v12 =	vor.u32 s29, v0  }
0x4b: {  	v9 =	vnsel vm2, $0x0, v9;
	v10 =	vnsel vm1, $0x0, v10  }
0x4c: {  	v8 =	vnsel vm0, $0x0, v8;
	[tilespmem:s23+$0xFFFFFFE0] =	vst v9;
	v9 =	vnsel vm3, $0x0, v11  }
0x4d: {  	[tilespmem:s23+$0xFFFFFFF0] =	vst v10  }
0x4e: {  	[tilespmem:s23+$0x10] =	vst v9  }
0x4f: {  	[tilespmem:s23+$0x0] =	vst v8;
	s23 =	smov.u32 s24  }
0x50: {  	[tilespmem:v12+s19+$0x0] =	vst.idx.msk $0xff, v7  }
0x51: {  	v8 =	vld [tilespmem:s22+$0xFFFFFFF0]  }
0x52: {  	v9 =	vld [tilespmem:s22+$0xFFFFFFE0];
	_ =	sdelay $0x3  }
0x53: {  	(xrf1) =	vsort.dscd.msk.f32 $0xffff, v8, v1  }
0x54: {  	v10 =	vld [tilespmem:s22+$0x10];
	(xrf1) =	vsort.dscd.msk.f32 $0xffff, v9, v0  }
0x55: {  	v11 =	vld [tilespmem:s22+$0x0];
	_ =	sdelay $0x3  }
0x56: {  	(xrf1) =	vsort.dscd.msk.f32 $0xffff, v10, v3  }
0x57: {  	(xrf1) =	vsort.dscd.msk.f32 $0xffff, v11, v2;
	_ =	sdelay $0x6  }
0x58: {  	v7, v12, _ =	vpop (xrf1)  }
0x59: {  	[tilespmem:$0x18090] =	vst v12;
	v12, v13, _ =	vpop (xrf1)  }
0x5a: {  	[tilespmem:$0x18080] =	vst v13  }
0x5b: {  	[tilespmem:$0x18010] =	vst v7  }
0x5c: {  	[tilespmem:$0x18000] =	vst v12  }
0x5d: {  	v7 =	vld.idx.msk [tilespmem:v4+s17+$0x0], $0xffff  }
0x5e: {  	v12 =	vld.idx.msk [tilespmem:v4+s18+$0x0], $0xffff;
	v13, v14, _ =	vpop (xrf1)  }
0x5f: {  	[tilespmem:$0x18090] =	vst v14;
	v14, v15, _ =	vpop (xrf1)  }
0x60: {  	[tilespmem:$0x18080] =	vst v15  }
0x61: {  	[tilespmem:$0x18000] =	vst v14  }
0x62: {  	[tilespmem:$0x18010] =	vst v13  }
0x63: {  	v13 =	vld.idx.msk [tilespmem:v4+s17+$0x0], $0xffff  }
0x64: {  	v14 =	vld.idx.msk [tilespmem:v4+s18+$0x0], $0xffff;
	(xrf1) =	vsort.dscd.msk.f32 $0xffff, v7, v12;
	_ =	sdelay $0x5  }
0x65: {  	(xrf1) =	vsort.dscd.msk.f32 $0xffff, v13, v14;
	_ =	sdelay $0x7  }
0x66: {  	v7, v12, _ =	vpop (xrf1)  }
0x67: {  	[tilespmem:$0x18000] =	vst v7  }
0x68: {  	[tilespmem:$0x18080] =	vst v12;
	_ =	sdelay $0x3  }
0x69: {  	v7, v12, _ =	vpop (xrf1)  }
0x6a: {  	[tilespmem:$0x18010] =	vst v7  }
0x6b: {  	[tilespmem:$0x18090] =	vst v12  }
0x6c: {  	v7 =	vld.idx.msk [tilespmem:v4+s17+$0x0], $0xffff  }
0x6d: {  	v12 =	vld.idx.msk [tilespmem:v4+s18+$0x0], $0xffff;
	_ =	sdelay $0x5  }
0x6e: {  	(xrf1) =	vsort.dscd.msk.f32 $0xffff, v7, v12;
	_ =	sdelay $0xd  }
0x6f: {  	v12, v7, _ =	vpop (xrf1)  }
0x70: {  	[tilespmem:$0x18000] =	vst v12;
	(xrf0) =	vmax.scan.msk.f32 $0xffff, v12  }
0x71: {  	v13 =	vld.idx.msk [tilespmem:v5+s17+$0x0], $0xffff;
	_ =	sdelay $0x4  }
0x72: {  	v14, _, _ =	vpop (xrf0)  }
0x73: {  	vm2 =	vge.f32 v9, v13;
	vm1 =	vge.f32 v8, v13;
	v14 =	vbroadcast v14, $0xF  }
0x74: {  	vm0 =	vge.f32 v11, v13;
	vm3 =	vge.f32 v10, v13  }
0x75: {  	v12 =	vsub.f32 v12, v14;
	v9 =	vsub.f32 v9, v14  }
0x76: {  	v8 =	vsub.f32 v8, v14;
	v11 =	vsub.f32 v11, v14  }
0x77: {  	v10 =	vsub.f32 v10, v14;
	v12 =	vmul.f32 $1.442695020e+00, v12;
	v9 =	vmul.f32 $1.442695020e+00, v9  }
0x78: {  	v8 =	vmul.f32 $1.442695020e+00, v8;
	v11 =	vmul.f32 $1.442695020e+00, v11  }
0x79: {  	v10 =	vmul.f32 $1.442695020e+00, v10;
	(erf) = vpow2.f32 v12;
	_ =	sdelay $0x8  }
0x7a: {  	v12 =	vpop (erf)  }
0x7b: {  	v12 =	vmul.f32 v6, v12;
	_ =	sdelay $0x1  }
0x7c: {  	(xrf2) =	vadd.scan.msk.f32 $0xffff, v12;
	_ =	sdelay $0x9  }
0x7d: {  	v12, _, _ =	vpop (xrf2)  }
0x7e: {  	v12 =	vadd.f32 $0.0e+00, v12  }
.Ltmp0:
0x7f: {  	(erf) = vpow2.f32 v11;
	(pc) =	sbr.rel @p0 .LBB2_2-.Ltmp0, $4  }
0x80: {  	v11 =	vbroadcast v12, $0xF;
	(erf) = vpow2.f32 v9  }
0x81: {  	(erf) = vpow2.f32 v8  }
0x82: {  	(erf) = vrcp.f32 v11  }
0x83: {  	(erf) = vpow2.f32 v10  }
0x84: {  	_ =	sdelay $0x3  }
0x85: {  	v8 =	vpop (erf)  }
0x86: {  	v9 =	vpop (erf)  }
0x87: {  	v10 =	vpop (erf)  }
0x88: {  	v11 =	vpop (erf)  }
0x89: {  	v9 =	vmul.f32 v11, v9  }
0x8a: {  	s22 =	sshll.u32 s25, $0x7;
	v10 =	vmul.f32 v11, v10  }
0x8b: {  	v13 =	vor.u32 s22, v0;
	v12 =	vpop (erf);
	v8 =	vmul.f32 v11, v8;
	v9 =	vnsel vm2, $0x0, v9  }
0x8c: {  	v12 =	vmul.f32 v11, v12;
	v10 =	vnsel vm1, $0x0, v10;
	[tilespmem:s23+$0xFFFFFFE0] =	vst v9  }
0x8d: {  	v8 =	vnsel vm0, $0x0, v8;
	[tilespmem:s23+$0xFFFFFFF0] =	vst v10  }
0x8e: {  	v48 =	vnsel vm3, $0x0, v12;
	[tilespmem:s23+$0x0] =	vst v8  }
0x8f: {  	[tilespmem:s23+$0x10] =	vst v48  }
0x90: {  	s22 =	simm.s32 $0x0;
	[tilespmem:v13+s19+$0x0] =	vst.idx.msk $0xff, v7  }
0x91: {  	[hbm4b:s4+s22] =	stream.linear.scatter [tilespmem:s20], [sflag:$0x1], $0x8000, $0x38;
	[tilespmem:$0x18100] =	vst v63  }
0x92: {  	_ =	swait.ge [sflag:s16], $0x8000  }
0x93: {  	[sflag:s16] =	ssyncset.done $0x0  }
0x94: {  	[sflag:s16] =	ssyncadd.s32 $0xFFFF8000  }
0x95: {  	[hbm4b:s5+s22] =	stream.linear.scatter [tilespmem:s19], [sflag:$0x1], $0x8000, $0x38;
	[tilespmem:$0x18100] =	vst v63  }
0x96: {  	_ =	swait.ge [sflag:s16], $0x8000  }
0x97: {  	[sflag:s16] =	ssyncset.done $0x0  }
0x98: {  	[sflag:s16] =	ssyncadd.s32 $0xFFFF8000  }
0x99: {  	[tilespmem:s22], [sflag:$0x1] =	stream.linear.gather [hbm4b:s6+s22], $0x8000, $0x38;
	[tilespmem:$0x18100] =	vst v63  }
0x9a: {  	_ =	swait.ge [sflag:s16], $0x8000  }
0x9b: {  	[sflag:s16] =	ssyncset.done $0x0  }
0x9c: {  	s23 =	simm.s32 $0x20;
	[sflag:s16] =	ssyncadd.s32 $0xFFFF8000  }
0x9d: {  	v8 =	vld [tilespmem:s23+$0xFFFFFFF0];
	_ =	sdelay $0x1  }
0x9e: {  	v49 =	vld [tilespmem:s23+$0xFFFFFFE0];
	_ =	sdelay $0x2  }
0x9f: {  	v50 =	vld [tilespmem:s23+$0x10];
	(xrf1) =	vsort.dscd.msk.f32 $0xffff, v8, v1;
	_ =	sdelay $0x1  }
0xa0: {  	v51 =	vld [tilespmem:s23+$0x0];
	(xrf1) =	vsort.dscd.msk.f32 $0xffff, v49, v0;
	_ =	sdelay $0x2  }
0xa1: {  	(xrf1) =	vsort.dscd.msk.f32 $0xffff, v50, v3;
	_ =	sdelay $0x1  }
0xa2: {  	(xrf1) =	vsort.dscd.msk.f32 $0xffff, v51, v2;
	_ =	sdelay $0x6  }
0xa3: {  	v7, v52, _ =	vpop (xrf1)  }
0xa4: {  	[tilespmem:$0x18090] =	vst v52  }
0xa5: {  	v54, v53, _ =	vpop (xrf1);
	[tilespmem:$0x18010] =	vst v7  }
0xa6: {  	[tilespmem:$0x18080] =	vst v53  }
0xa7: {  	[tilespmem:$0x18000] =	vst v54  }
0xa8: {  	v55, v14, _ =	vpop (xrf1);
	v7 =	vld.idx.msk [tilespmem:v4+s17+$0x0], $0xffff  }
0xa9: {  	v12 =	vld.idx.msk [tilespmem:v4+s18+$0x0], $0xffff;
	[tilespmem:$0x18090] =	vst v14  }
0xaa: {  	v56, v15, _ =	vpop (xrf1);
	[tilespmem:$0x18010] =	vst v55  }
0xab: {  	[tilespmem:$0x18080] =	vst v15  }
0xac: {  	[tilespmem:$0x18000] =	vst v56  }
0xad: {  	v13 =	vld.idx.msk [tilespmem:v4+s17+$0x0], $0xffff  }
0xae: {  	v14 =	vld.idx.msk [tilespmem:v4+s18+$0x0], $0xffff;
	_ =	sdelay $0x2  }
0xaf: {  	(xrf1) =	vsort.dscd.msk.f32 $0xffff, v7, v12;
	_ =	sdelay $0x1  }
0xb0: {  	(xrf1) =	vsort.dscd.msk.f32 $0xffff, v13, v14;
	_ =	sdelay $0xb  }
0xb1: {  	v7, v12, _ =	vpop (xrf1)  }
0xb2: {  	[tilespmem:$0x18000] =	vst v7  }
0xb3: {  	[tilespmem:$0x18080] =	vst v12;
	v7, v57, _ =	vpop (xrf1)  }
0xb4: {  	[tilespmem:$0x18010] =	vst v7  }
0xb5: {  	[tilespmem:$0x18090] =	vst v57  }
0xb6: {  	v7 =	vld.idx.msk [tilespmem:v4+s17+$0x0], $0xffff  }
0xb7: {  	v12 =	vld.idx.msk [tilespmem:v4+s18+$0x0], $0xffff;
	_ =	sdelay $0x4  }
0xb8: {  	(xrf1) =	vsort.dscd.msk.f32 $0xffff, v7, v12;
	_ =	sdelay $0xd  }
0xb9: {  	v12, v7, _ =	vpop (xrf1)  }
0xba: {  	(xrf0) =	vmax.scan.msk.f32 $0xffff, v12;
	_ =	sdelay $0x5  }
0xbb: {  	v58, _, _ =	vpop (xrf0)  }
0xbc: {  	v13 =	vbroadcast v58, $0xF;
	_ =	sdelay $0x1  }
0xbd: {  	v59 =	vsub.f32 v12, v13;
	_ =	sdelay $0x1  }
0xbe: {  	v14 =	vmul.f32 $1.442695020e+00, v59;
	_ =	sdelay $0x1  }
0xbf: {  	(erf) = vpow2.f32 v14;
	_ =	sdelay $0x8  }
0xc0: {  	v14 =	vpop (erf)  }
0xc1: {  	v14 =	vmul.f32 v6, v14;
	_ =	sdelay $0x1  }
0xc2: {  	(xrf2) =	vadd.scan.msk.f32 $0xffff, v14;
	_ =	sdelay $0x7  }
0xc3: {  	v60 =	vsub.f32 v51, v13  }
0xc4: {  	[tilespmem:$0x18000] =	vst v12;
	v61 =	vsub.f32 v49, v13  }
0xc5: {  	v15 =	vld.idx.msk [tilespmem:v5+s17+$0x0], $0xffff;
	v16 =	vsub.f32 v8, v13;
	v14 =	vmul.f32 $1.442695020e+00, v60;
	v17, _, _ =	vpop (xrf2)  }
0xc6: {  	v12 =	vmul.f32 $1.442695020e+00, v61;
	v17 =	vadd.f32 $0.0e+00, v17  }
0xc7: {  	v13 =	vsub.f32 v50, v13;
	v62 =	vmul.f32 $1.442695020e+00, v16;
	(erf) = vpow2.f32 v14  }
0xc8: {  	(erf) = vpow2.f32 v12;
	v63 =	vbroadcast v17, $0xF  }
0xc9: {  	v13 =	vmul.f32 $1.442695020e+00, v13;
	(erf) = vpow2.f32 v62  }
0xca: {  	vm2 =	vge.f32 v49, v15;
	vm1 =	vge.f32 v8, v15;
	(erf) = vrcp.f32 v63  }
0xcb: {  	s25 =	simm.s32 $0x8020;
	s26 =	simm.s32 $0x1;
	s24 =	simm.s32 $0x8020;
	vm0 =	vge.f32 v51, v15;
	vm3 =	vge.f32 v50, v15;
	(erf) = vpow2.f32 v13  }
.LBB2_4:
0xcc: {  	_ =	sdelay $0x1  }
0xcd: {  	p0 =	sne.s32 s26, $0xFF;
	s23 =	sadd.s32 $0x80, s23;
	s25 =	sadd.s32 $0x80, s25  }
0xce: {  	s28 =	smov.u32 s26;
	s26 =	sadd.s32 $0x1, s26  }
0xcf: {  	v8 =	vpop (erf)  }
0xd0: {  	v9 =	vpop (erf)  }
0xd1: {  	v10 =	vpop (erf)  }
0xd2: {  	v11 =	vpop (erf)  }
0xd3: {  	s29 =	sshll.u32 s22, $0x7;
	s22 =	smov.u32 s28;
	v9 =	vmul.f32 v11, v9;
	v10 =	vmul.f32 v11, v10;
	v12 =	vpop (erf)  }
0xd4: {  	v8 =	vmul.f32 v11, v8;
	v11 =	vmul.f32 v11, v12;
	v12 =	vor.u32 s29, v0  }
0xd5: {  	v9 =	vnsel vm2, $0x0, v9;
	v10 =	vnsel vm1, $0x0, v10  }
0xd6: {  	v8 =	vnsel vm0, $0x0, v8;
	[tilespmem:s24+$0xFFFFFFE0] =	vst v9;
	v9 =	vnsel vm3, $0x0, v11  }
0xd7: {  	[tilespmem:s24+$0xFFFFFFF0] =	vst v10  }
0xd8: {  	[tilespmem:s24+$0x10] =	vst v9  }
0xd9: {  	[tilespmem:s24+$0x0] =	vst v8;
	s24 =	smov.u32 s25  }
0xda: {  	[tilespmem:v12+s19+$0x0] =	vst.idx.msk $0xff, v7  }
0xdb: {  	v8 =	vld [tilespmem:s23+$0xFFFFFFF0]  }
0xdc: {  	v9 =	vld [tilespmem:s23+$0xFFFFFFE0];
	_ =	sdelay $0x3  }
0xdd: {  	(xrf1) =	vsort.dscd.msk.f32 $0xffff, v8, v1  }
0xde: {  	v10 =	vld [tilespmem:s23+$0x10];
	(xrf1) =	vsort.dscd.msk.f32 $0xffff, v9, v0  }
0xdf: {  	v11 =	vld [tilespmem:s23+$0x0];
	_ =	sdelay $0x3  }
0xe0: {  	(xrf1) =	vsort.dscd.msk.f32 $0xffff, v10, v3  }
0xe1: {  	(xrf1) =	vsort.dscd.msk.f32 $0xffff, v11, v2;
	_ =	sdelay $0x6  }
0xe2: {  	v7, v12, _ =	vpop (xrf1)  }
0xe3: {  	[tilespmem:$0x18090] =	vst v12;
	v12, v13, _ =	vpop (xrf1)  }
0xe4: {  	[tilespmem:$0x18080] =	vst v13  }
0xe5: {  	[tilespmem:$0x18010] =	vst v7  }
0xe6: {  	[tilespmem:$0x18000] =	vst v12  }
0xe7: {  	v7 =	vld.idx.msk [tilespmem:v4+s17+$0x0], $0xffff  }
0xe8: {  	v12 =	vld.idx.msk [tilespmem:v4+s18+$0x0], $0xffff;
	v13, v14, _ =	vpop (xrf1)  }
0xe9: {  	[tilespmem:$0x18090] =	vst v14;
	v14, v15, _ =	vpop (xrf1)  }
0xea: {  	[tilespmem:$0x18080] =	vst v15  }
0xeb: {  	[tilespmem:$0x18000] =	vst v14  }
0xec: {  	[tilespmem:$0x18010] =	vst v13  }
0xed: {  	v13 =	vld.idx.msk [tilespmem:v4+s17+$0x0], $0xffff  }
0xee: {  	v14 =	vld.idx.msk [tilespmem:v4+s18+$0x0], $0xffff;
	(xrf1) =	vsort.dscd.msk.f32 $0xffff, v7, v12;
	_ =	sdelay $0x5  }
0xef: {  	(xrf1) =	vsort.dscd.msk.f32 $0xffff, v13, v14;
	_ =	sdelay $0x7  }
0xf0: {  	v7, v12, _ =	vpop (xrf1)  }
0xf1: {  	[tilespmem:$0x18000] =	vst v7  }
0xf2: {  	[tilespmem:$0x18080] =	vst v12;
	_ =	sdelay $0x3  }
0xf3: {  	v7, v12, _ =	vpop (xrf1)  }
0xf4: {  	[tilespmem:$0x18010] =	vst v7  }
0xf5: {  	[tilespmem:$0x18090] =	vst v12  }
0xf6: {  	v7 =	vld.idx.msk [tilespmem:v4+s17+$0x0], $0xffff  }
0xf7: {  	v12 =	vld.idx.msk [tilespmem:v4+s18+$0x0], $0xffff;
	_ =	sdelay $0x5  }
0xf8: {  	(xrf1) =	vsort.dscd.msk.f32 $0xffff, v7, v12;
	_ =	sdelay $0xd  }
0xf9: {  	v12, v7, _ =	vpop (xrf1)  }
0xfa: {  	[tilespmem:$0x18000] =	vst v12;
	(xrf0) =	vmax.scan.msk.f32 $0xffff, v12  }
0xfb: {  	v13 =	vld.idx.msk [tilespmem:v5+s17+$0x0], $0xffff;
	_ =	sdelay $0x4  }
0xfc: {  	v14, _, _ =	vpop (xrf0)  }
0xfd: {  	vm2 =	vge.f32 v9, v13;
	vm1 =	vge.f32 v8, v13;
	v14 =	vbroadcast v14, $0xF  }
0xfe: {  	vm0 =	vge.f32 v11, v13;
	vm3 =	vge.f32 v10, v13  }
0xff: {  	v12 =	vsub.f32 v12, v14;
	v9 =	vsub.f32 v9, v14  }
0x100: {  	v8 =	vsub.f32 v8, v14;
	v11 =	vsub.f32 v11, v14  }
0x101: {  	v10 =	vsub.f32 v10, v14;
	v12 =	vmul.f32 $1.442695020e+00, v12;
	v9 =	vmul.f32 $1.442695020e+00, v9  }
0x102: {  	v8 =	vmul.f32 $1.442695020e+00, v8;
	v11 =	vmul.f32 $1.442695020e+00, v11  }
0x103: {  	v10 =	vmul.f32 $1.442695020e+00, v10;
	(erf) = vpow2.f32 v12;
	_ =	sdelay $0x8  }
0x104: {  	v12 =	vpop (erf)  }
0x105: {  	v12 =	vmul.f32 v6, v12;
	_ =	sdelay $0x1  }
0x106: {  	(xrf2) =	vadd.scan.msk.f32 $0xffff, v12;
	_ =	sdelay $0x9  }
0x107: {  	v12, _, _ =	vpop (xrf2)  }
0x108: {  	v12 =	vadd.f32 $0.0e+00, v12  }
.Ltmp1:
0x109: {  	(erf) = vpow2.f32 v11;
	(pc) =	sbr.rel @p0 .LBB2_4-.Ltmp1, $4  }
0x10a: {  	v11 =	vbroadcast v12, $0xF;
	(erf) = vpow2.f32 v9  }
0x10b: {  	(erf) = vpow2.f32 v8  }
0x10c: {  	(erf) = vrcp.f32 v11  }
0x10d: {  	(erf) = vpow2.f32 v10  }
0x10e: {  	_ =	sdelay $0x3  }
0x10f: {  	v8 =	vpop (erf)  }
0x110: {  	v9 =	vpop (erf)  }
0x111: {  	v10 =	vpop (erf)  }
0x112: {  	v11 =	vpop (erf)  }
0x113: {  	v9 =	vmul.f32 v11, v9  }
0x114: {  	s22 =	sshll.u32 s22, $0x7;
	v10 =	vmul.f32 v11, v10  }
0x115: {  	v13 =	vor.u32 s22, v0;
	v12 =	vpop (erf);
	v8 =	vmul.f32 v11, v8;
	v9 =	vnsel vm2, $0x0, v9  }
0x116: {  	v12 =	vmul.f32 v11, v12;
	v10 =	vnsel vm1, $0x0, v10;
	[tilespmem:s24+$0xFFFFFFE0] =	vst v9  }
0x117: {  	v8 =	vnsel vm0, $0x0, v8;
	[tilespmem:s24+$0xFFFFFFF0] =	vst v10  }
0x118: {  	v48 =	vnsel vm3, $0x0, v12;
	[tilespmem:s24+$0x0] =	vst v8  }
0x119: {  	[tilespmem:s24+$0x10] =	vst v48  }
0x11a: {  	s22 =	simm.s32 $0x0;
	[tilespmem:v13+s19+$0x0] =	vst.idx.msk $0xff, v7  }
0x11b: {  	[hbm4b:s7+s22] =	stream.linear.scatter [tilespmem:s20], [sflag:$0x1], $0x8000, $0x38;
	[tilespmem:$0x18100] =	vst v63  }
0x11c: {  	_ =	swait.ge [sflag:s16], $0x8000  }
0x11d: {  	[sflag:s16] =	ssyncset.done $0x0  }
0x11e: {  	[sflag:s16] =	ssyncadd.s32 $0xFFFF8000  }
0x11f: {  	[hbm4b:s8+s22] =	stream.linear.scatter [tilespmem:s19], [sflag:$0x1], $0x8000, $0x38;
	[tilespmem:$0x18100] =	vst v63  }
0x120: {  	_ =	swait.ge [sflag:s16], $0x8000  }
0x121: {  	[sflag:s16] =	ssyncset.done $0x0  }
0x122: {  	[sflag:s16] =	ssyncadd.s32 $0xFFFF8000  }
0x123: {  	[tilespmem:s22], [sflag:$0x1] =	stream.linear.gather [hbm4b:s9+s22], $0x8000, $0x38;
	[tilespmem:$0x18100] =	vst v63  }
0x124: {  	_ =	swait.ge [sflag:s16], $0x8000  }
0x125: {  	[sflag:s16] =	ssyncset.done $0x0  }
0x126: {  	s23 =	simm.s32 $0x20;
	[sflag:s16] =	ssyncadd.s32 $0xFFFF8000  }
0x127: {  	v8 =	vld [tilespmem:s23+$0xFFFFFFF0];
	_ =	sdelay $0x1  }
0x128: {  	v49 =	vld [tilespmem:s23+$0xFFFFFFE0];
	_ =	sdelay $0x2  }
0x129: {  	v50 =	vld [tilespmem:s23+$0x10];
	(xrf1) =	vsort.dscd.msk.f32 $0xffff, v8, v1;
	_ =	sdelay $0x1  }
0x12a: {  	v51 =	vld [tilespmem:s23+$0x0];
	(xrf1) =	vsort.dscd.msk.f32 $0xffff, v49, v0;
	_ =	sdelay $0x2  }
0x12b: {  	(xrf1) =	vsort.dscd.msk.f32 $0xffff, v50, v3;
	_ =	sdelay $0x1  }
0x12c: {  	(xrf1) =	vsort.dscd.msk.f32 $0xffff, v51, v2;
	_ =	sdelay $0x6  }
0x12d: {  	v7, v52, _ =	vpop (xrf1)  }
0x12e: {  	[tilespmem:$0x18090] =	vst v52  }
0x12f: {  	v54, v53, _ =	vpop (xrf1);
	[tilespmem:$0x18010] =	vst v7  }
0x130: {  	[tilespmem:$0x18080] =	vst v53  }
0x131: {  	[tilespmem:$0x18000] =	vst v54  }
0x132: {  	v55, v14, _ =	vpop (xrf1);
	v7 =	vld.idx.msk [tilespmem:v4+s17+$0x0], $0xffff  }
0x133: {  	v12 =	vld.idx.msk [tilespmem:v4+s18+$0x0], $0xffff;
	[tilespmem:$0x18090] =	vst v14  }
0x134: {  	v56, v15, _ =	vpop (xrf1);
	[tilespmem:$0x18010] =	vst v55  }
0x135: {  	[tilespmem:$0x18080] =	vst v15  }
0x136: {  	[tilespmem:$0x18000] =	vst v56  }
0x137: {  	v13 =	vld.idx.msk [tilespmem:v4+s17+$0x0], $0xffff  }
0x138: {  	v14 =	vld.idx.msk [tilespmem:v4+s18+$0x0], $0xffff;
	_ =	sdelay $0x2  }
0x139: {  	(xrf1) =	vsort.dscd.msk.f32 $0xffff, v7, v12;
	_ =	sdelay $0x1  }
0x13a: {  	(xrf1) =	vsort.dscd.msk.f32 $0xffff, v13, v14;
	_ =	sdelay $0xb  }
0x13b: {  	v7, v12, _ =	vpop (xrf1)  }
0x13c: {  	[tilespmem:$0x18000] =	vst v7  }
0x13d: {  	[tilespmem:$0x18080] =	vst v12;
	v7, v57, _ =	vpop (xrf1)  }
0x13e: {  	[tilespmem:$0x18010] =	vst v7  }
0x13f: {  	[tilespmem:$0x18090] =	vst v57  }
0x140: {  	v7 =	vld.idx.msk [tilespmem:v4+s17+$0x0], $0xffff  }
0x141: {  	v12 =	vld.idx.msk [tilespmem:v4+s18+$0x0], $0xffff;
	_ =	sdelay $0x4  }
0x142: {  	(xrf1) =	vsort.dscd.msk.f32 $0xffff, v7, v12;
	_ =	sdelay $0xd  }
0x143: {  	v12, v7, _ =	vpop (xrf1)  }
0x144: {  	(xrf0) =	vmax.scan.msk.f32 $0xffff, v12;
	_ =	sdelay $0x5  }
0x145: {  	v58, _, _ =	vpop (xrf0)  }
0x146: {  	v13 =	vbroadcast v58, $0xF;
	_ =	sdelay $0x1  }
0x147: {  	v59 =	vsub.f32 v12, v13;
	_ =	sdelay $0x1  }
0x148: {  	v14 =	vmul.f32 $1.442695020e+00, v59;
	_ =	sdelay $0x1  }
0x149: {  	(erf) = vpow2.f32 v14;
	_ =	sdelay $0x8  }
0x14a: {  	v14 =	vpop (erf)  }
0x14b: {  	v14 =	vmul.f32 v6, v14;
	_ =	sdelay $0x1  }
0x14c: {  	(xrf2) =	vadd.scan.msk.f32 $0xffff, v14;
	_ =	sdelay $0x7  }
0x14d: {  	v60 =	vsub.f32 v51, v13  }
0x14e: {  	[tilespmem:$0x18000] =	vst v12;
	v61 =	vsub.f32 v49, v13  }
0x14f: {  	v15 =	vld.idx.msk [tilespmem:v5+s17+$0x0], $0xffff;
	v16 =	vsub.f32 v8, v13;
	v14 =	vmul.f32 $1.442695020e+00, v60;
	v17, _, _ =	vpop (xrf2)  }
0x150: {  	v12 =	vmul.f32 $1.442695020e+00, v61;
	v17 =	vadd.f32 $0.0e+00, v17  }
0x151: {  	v13 =	vsub.f32 v50, v13;
	v62 =	vmul.f32 $1.442695020e+00, v16;
	(erf) = vpow2.f32 v14  }
0x152: {  	(erf) = vpow2.f32 v12;
	v63 =	vbroadcast v17, $0xF  }
0x153: {  	v13 =	vmul.f32 $1.442695020e+00, v13;
	(erf) = vpow2.f32 v62  }
0x154: {  	vm2 =	vge.f32 v49, v15;
	vm1 =	vge.f32 v8, v15;
	(erf) = vrcp.f32 v63  }
0x155: {  	s25 =	simm.s32 $0x8020;
	s26 =	simm.s32 $0x1;
	s24 =	simm.s32 $0x8020;
	vm0 =	vge.f32 v51, v15;
	vm3 =	vge.f32 v50, v15;
	(erf) = vpow2.f32 v13  }
.LBB2_6:
0x156: {  	_ =	sdelay $0x1  }
0x157: {  	p0 =	sne.s32 s26, $0xFF;
	s23 =	sadd.s32 $0x80, s23;
	s25 =	sadd.s32 $0x80, s25  }
0x158: {  	s28 =	smov.u32 s26;
	s26 =	sadd.s32 $0x1, s26  }
0x159: {  	v8 =	vpop (erf)  }
0x15a: {  	v9 =	vpop (erf)  }
0x15b: {  	v10 =	vpop (erf)  }
0x15c: {  	v11 =	vpop (erf)  }
0x15d: {  	s29 =	sshll.u32 s22, $0x7;
	s22 =	smov.u32 s28;
	v9 =	vmul.f32 v11, v9;
	v10 =	vmul.f32 v11, v10;
	v12 =	vpop (erf)  }
0x15e: {  	v8 =	vmul.f32 v11, v8;
	v11 =	vmul.f32 v11, v12;
	v12 =	vor.u32 s29, v0  }
0x15f: {  	v9 =	vnsel vm2, $0x0, v9;
	v10 =	vnsel vm1, $0x0, v10  }
0x160: {  	v8 =	vnsel vm0, $0x0, v8;
	[tilespmem:s24+$0xFFFFFFE0] =	vst v9;
	v9 =	vnsel vm3, $0x0, v11  }
0x161: {  	[tilespmem:s24+$0xFFFFFFF0] =	vst v10  }
0x162: {  	[tilespmem:s24+$0x10] =	vst v9  }
0x163: {  	[tilespmem:s24+$0x0] =	vst v8;
	s24 =	smov.u32 s25  }
0x164: {  	[tilespmem:v12+s19+$0x0] =	vst.idx.msk $0xff, v7  }
0x165: {  	v8 =	vld [tilespmem:s23+$0xFFFFFFF0]  }
0x166: {  	v9 =	vld [tilespmem:s23+$0xFFFFFFE0];
	_ =	sdelay $0x3  }
0x167: {  	(xrf1) =	vsort.dscd.msk.f32 $0xffff, v8, v1  }
0x168: {  	v10 =	vld [tilespmem:s23+$0x10];
	(xrf1) =	vsort.dscd.msk.f32 $0xffff, v9, v0  }
0x169: {  	v11 =	vld [tilespmem:s23+$0x0];
	_ =	sdelay $0x3  }
0x16a: {  	(xrf1) =	vsort.dscd.msk.f32 $0xffff, v10, v3  }
0x16b: {  	(xrf1) =	vsort.dscd.msk.f32 $0xffff, v11, v2;
	_ =	sdelay $0x6  }
0x16c: {  	v7, v12, _ =	vpop (xrf1)  }
0x16d: {  	[tilespmem:$0x18090] =	vst v12;
	v12, v13, _ =	vpop (xrf1)  }
0x16e: {  	[tilespmem:$0x18080] =	vst v13  }
0x16f: {  	[tilespmem:$0x18010] =	vst v7  }
0x170: {  	[tilespmem:$0x18000] =	vst v12  }
0x171: {  	v7 =	vld.idx.msk [tilespmem:v4+s17+$0x0], $0xffff  }
0x172: {  	v12 =	vld.idx.msk [tilespmem:v4+s18+$0x0], $0xffff;
	v13, v14, _ =	vpop (xrf1)  }
0x173: {  	[tilespmem:$0x18090] =	vst v14;
	v14, v15, _ =	vpop (xrf1)  }
0x174: {  	[tilespmem:$0x18080] =	vst v15  }
0x175: {  	[tilespmem:$0x18000] =	vst v14  }
0x176: {  	[tilespmem:$0x18010] =	vst v13  }
0x177: {  	v13 =	vld.idx.msk [tilespmem:v4+s17+$0x0], $0xffff  }
0x178: {  	v14 =	vld.idx.msk [tilespmem:v4+s18+$0x0], $0xffff;
	(xrf1) =	vsort.dscd.msk.f32 $0xffff, v7, v12;
	_ =	sdelay $0x5  }
0x179: {  	(xrf1) =	vsort.dscd.msk.f32 $0xffff, v13, v14;
	_ =	sdelay $0x7  }
0x17a: {  	v7, v12, _ =	vpop (xrf1)  }
0x17b: {  	[tilespmem:$0x18000] =	vst v7  }
0x17c: {  	[tilespmem:$0x18080] =	vst v12;
	_ =	sdelay $0x3  }
0x17d: {  	v7, v12, _ =	vpop (xrf1)  }
0x17e: {  	[tilespmem:$0x18010] =	vst v7  }
0x17f: {  	[tilespmem:$0x18090] =	vst v12  }
0x180: {  	v7 =	vld.idx.msk [tilespmem:v4+s17+$0x0], $0xffff  }
0x181: {  	v12 =	vld.idx.msk [tilespmem:v4+s18+$0x0], $0xffff;
	_ =	sdelay $0x5  }
0x182: {  	(xrf1) =	vsort.dscd.msk.f32 $0xffff, v7, v12;
	_ =	sdelay $0xd  }
0x183: {  	v12, v7, _ =	vpop (xrf1)  }
0x184: {  	[tilespmem:$0x18000] =	vst v12;
	(xrf0) =	vmax.scan.msk.f32 $0xffff, v12  }
0x185: {  	v13 =	vld.idx.msk [tilespmem:v5+s17+$0x0], $0xffff;
	_ =	sdelay $0x4  }
0x186: {  	v14, _, _ =	vpop (xrf0)  }
0x187: {  	vm2 =	vge.f32 v9, v13;
	vm1 =	vge.f32 v8, v13;
	v14 =	vbroadcast v14, $0xF  }
0x188: {  	vm0 =	vge.f32 v11, v13;
	vm3 =	vge.f32 v10, v13  }
0x189: {  	v12 =	vsub.f32 v12, v14;
	v9 =	vsub.f32 v9, v14  }
0x18a: {  	v8 =	vsub.f32 v8, v14;
	v11 =	vsub.f32 v11, v14  }
0x18b: {  	v10 =	vsub.f32 v10, v14;
	v12 =	vmul.f32 $1.442695020e+00, v12;
	v9 =	vmul.f32 $1.442695020e+00, v9  }
0x18c: {  	v8 =	vmul.f32 $1.442695020e+00, v8;
	v11 =	vmul.f32 $1.442695020e+00, v11  }
0x18d: {  	v10 =	vmul.f32 $1.442695020e+00, v10;
	(erf) = vpow2.f32 v12;
	_ =	sdelay $0x8  }
0x18e: {  	v12 =	vpop (erf)  }
0x18f: {  	v12 =	vmul.f32 v6, v12;
	_ =	sdelay $0x1  }
0x190: {  	(xrf2) =	vadd.scan.msk.f32 $0xffff, v12;
	_ =	sdelay $0x9  }
0x191: {  	v12, _, _ =	vpop (xrf2)  }
0x192: {  	v12 =	vadd.f32 $0.0e+00, v12  }
.Ltmp2:
0x193: {  	(erf) = vpow2.f32 v11;
	(pc) =	sbr.rel @p0 .LBB2_6-.Ltmp2, $4  }
0x194: {  	v11 =	vbroadcast v12, $0xF;
	(erf) = vpow2.f32 v9  }
0x195: {  	(erf) = vpow2.f32 v8  }
0x196: {  	(erf) = vrcp.f32 v11  }
0x197: {  	(erf) = vpow2.f32 v10  }
0x198: {  	_ =	sdelay $0x3  }
0x199: {  	v8 =	vpop (erf)  }
0x19a: {  	v9 =	vpop (erf)  }
0x19b: {  	v10 =	vpop (erf)  }
0x19c: {  	v11 =	vpop (erf)  }
0x19d: {  	v9 =	vmul.f32 v11, v9  }
0x19e: {  	s22 =	sshll.u32 s22, $0x7;
	v10 =	vmul.f32 v11, v10  }
0x19f: {  	v13 =	vor.u32 s22, v0;
	v12 =	vpop (erf);
	v8 =	vmul.f32 v11, v8;
	v9 =	vnsel vm2, $0x0, v9  }
0x1a0: {  	v12 =	vmul.f32 v11, v12;
	v10 =	vnsel vm1, $0x0, v10;
	[tilespmem:s24+$0xFFFFFFE0] =	vst v9  }
0x1a1: {  	v8 =	vnsel vm0, $0x0, v8;
	[tilespmem:s24+$0xFFFFFFF0] =	vst v10  }
0x1a2: {  	v48 =	vnsel vm3, $0x0, v12;
	[tilespmem:s24+$0x0] =	vst v8  }
0x1a3: {  	[tilespmem:s24+$0x10] =	vst v48  }
0x1a4: {  	s22 =	simm.s32 $0x0;
	[tilespmem:v13+s19+$0x0] =	vst.idx.msk $0xff, v7  }
0x1a5: {  	[hbm4b:s10+s22] =	stream.linear.scatter [tilespmem:s20], [sflag:$0x1], $0x8000, $0x38;
	[tilespmem:$0x18100] =	vst v63  }
0x1a6: {  	_ =	swait.ge [sflag:s16], $0x8000  }
0x1a7: {  	[sflag:s16] =	ssyncset.done $0x0  }
0x1a8: {  	[sflag:s16] =	ssyncadd.s32 $0xFFFF8000  }
0x1a9: {  	[hbm4b:s11+s22] =	stream.linear.scatter [tilespmem:s19], [sflag:$0x1], $0x8000, $0x38;
	[tilespmem:$0x18100] =	vst v63  }
0x1aa: {  	_ =	swait.ge [sflag:s16], $0x8000  }
0x1ab: {  	[sflag:s16] =	ssyncset.done $0x0  }
0x1ac: {  	[sflag:s16] =	ssyncadd.s32 $0xFFFF8000  }
0x1ad: {  	[tilespmem:s22], [sflag:$0x1] =	stream.linear.gather [hbm4b:s12+s22], $0x8000, $0x38;
	[tilespmem:$0x18100] =	vst v63  }
0x1ae: {  	_ =	swait.ge [sflag:s16], $0x8000  }
0x1af: {  	[sflag:s16] =	ssyncset.done $0x0  }
0x1b0: {  	s23 =	simm.s32 $0x20;
	[sflag:s16] =	ssyncadd.s32 $0xFFFF8000  }
0x1b1: {  	v8 =	vld [tilespmem:s23+$0xFFFFFFF0];
	_ =	sdelay $0x1  }
0x1b2: {  	v49 =	vld [tilespmem:s23+$0xFFFFFFE0];
	_ =	sdelay $0x2  }
0x1b3: {  	v50 =	vld [tilespmem:s23+$0x10];
	(xrf1) =	vsort.dscd.msk.f32 $0xffff, v8, v1;
	_ =	sdelay $0x1  }
0x1b4: {  	v51 =	vld [tilespmem:s23+$0x0];
	(xrf1) =	vsort.dscd.msk.f32 $0xffff, v49, v0;
	_ =	sdelay $0x2  }
0x1b5: {  	(xrf1) =	vsort.dscd.msk.f32 $0xffff, v50, v3;
	_ =	sdelay $0x1  }
0x1b6: {  	(xrf1) =	vsort.dscd.msk.f32 $0xffff, v51, v2;
	_ =	sdelay $0x6  }
0x1b7: {  	v7, v52, _ =	vpop (xrf1)  }
0x1b8: {  	[tilespmem:$0x18090] =	vst v52  }
0x1b9: {  	v54, v53, _ =	vpop (xrf1);
	[tilespmem:$0x18010] =	vst v7  }
0x1ba: {  	[tilespmem:$0x18080] =	vst v53  }
0x1bb: {  	[tilespmem:$0x18000] =	vst v54  }
0x1bc: {  	v55, v14, _ =	vpop (xrf1);
	v7 =	vld.idx.msk [tilespmem:v4+s17+$0x0], $0xffff  }
0x1bd: {  	v12 =	vld.idx.msk [tilespmem:v4+s18+$0x0], $0xffff;
	[tilespmem:$0x18090] =	vst v14  }
0x1be: {  	v56, v15, _ =	vpop (xrf1);
	[tilespmem:$0x18010] =	vst v55  }
0x1bf: {  	[tilespmem:$0x18080] =	vst v15  }
0x1c0: {  	[tilespmem:$0x18000] =	vst v56  }
0x1c1: {  	v13 =	vld.idx.msk [tilespmem:v4+s17+$0x0], $0xffff  }
0x1c2: {  	v14 =	vld.idx.msk [tilespmem:v4+s18+$0x0], $0xffff;
	_ =	sdelay $0x2  }
0x1c3: {  	(xrf1) =	vsort.dscd.msk.f32 $0xffff, v7, v12;
	_ =	sdelay $0x1  }
0x1c4: {  	(xrf1) =	vsort.dscd.msk.f32 $0xffff, v13, v14;
	_ =	sdelay $0xb  }
0x1c5: {  	v7, v12, _ =	vpop (xrf1)  }
0x1c6: {  	[tilespmem:$0x18000] =	vst v7  }
0x1c7: {  	[tilespmem:$0x18080] =	vst v12;
	v7, v57, _ =	vpop (xrf1)  }
0x1c8: {  	[tilespmem:$0x18010] =	vst v7  }
0x1c9: {  	[tilespmem:$0x18090] =	vst v57  }
0x1ca: {  	v7 =	vld.idx.msk [tilespmem:v4+s17+$0x0], $0xffff  }
0x1cb: {  	v12 =	vld.idx.msk [tilespmem:v4+s18+$0x0], $0xffff;
	_ =	sdelay $0x4  }
0x1cc: {  	(xrf1) =	vsort.dscd.msk.f32 $0xffff, v7, v12;
	_ =	sdelay $0xd  }
0x1cd: {  	v12, v7, _ =	vpop (xrf1)  }
0x1ce: {  	(xrf0) =	vmax.scan.msk.f32 $0xffff, v12;
	_ =	sdelay $0x5  }
0x1cf: {  	v58, _, _ =	vpop (xrf0)  }
0x1d0: {  	v13 =	vbroadcast v58, $0xF;
	_ =	sdelay $0x1  }
0x1d1: {  	v59 =	vsub.f32 v12, v13;
	_ =	sdelay $0x1  }
0x1d2: {  	v14 =	vmul.f32 $1.442695020e+00, v59;
	_ =	sdelay $0x1  }
0x1d3: {  	(erf) = vpow2.f32 v14;
	_ =	sdelay $0x8  }
0x1d4: {  	v14 =	vpop (erf)  }
0x1d5: {  	v14 =	vmul.f32 v6, v14;
	_ =	sdelay $0x1  }
0x1d6: {  	(xrf2) =	vadd.scan.msk.f32 $0xffff, v14;
	_ =	sdelay $0x7  }
0x1d7: {  	v60 =	vsub.f32 v51, v13  }
0x1d8: {  	[tilespmem:$0x18000] =	vst v12;
	v61 =	vsub.f32 v49, v13  }
0x1d9: {  	v15 =	vld.idx.msk [tilespmem:v5+s17+$0x0], $0xffff;
	v16 =	vsub.f32 v8, v13;
	v14 =	vmul.f32 $1.442695020e+00, v60;
	v17, _, _ =	vpop (xrf2)  }
0x1da: {  	v12 =	vmul.f32 $1.442695020e+00, v61;
	v17 =	vadd.f32 $0.0e+00, v17  }
0x1db: {  	v13 =	vsub.f32 v50, v13;
	v62 =	vmul.f32 $1.442695020e+00, v16;
	(erf) = vpow2.f32 v14  }
0x1dc: {  	(erf) = vpow2.f32 v12;
	v63 =	vbroadcast v17, $0xF  }
0x1dd: {  	v13 =	vmul.f32 $1.442695020e+00, v13;
	(erf) = vpow2.f32 v62  }
0x1de: {  	vm2 =	vge.f32 v49, v15;
	vm1 =	vge.f32 v8, v15;
	(erf) = vrcp.f32 v63  }
0x1df: {  	s25 =	simm.s32 $0x8020;
	s26 =	simm.s32 $0x1;
	s24 =	simm.s32 $0x8020;
	vm0 =	vge.f32 v51, v15;
	vm3 =	vge.f32 v50, v15;
	(erf) = vpow2.f32 v13  }
.LBB2_8:
0x1e0: {  	_ =	sdelay $0x1  }
0x1e1: {  	p0 =	sne.s32 s26, $0xFF;
	s23 =	sadd.s32 $0x80, s23;
	s25 =	sadd.s32 $0x80, s25  }
0x1e2: {  	s28 =	smov.u32 s26;
	s26 =	sadd.s32 $0x1, s26  }
0x1e3: {  	v8 =	vpop (erf)  }
0x1e4: {  	v9 =	vpop (erf)  }
0x1e5: {  	v10 =	vpop (erf)  }
0x1e6: {  	v11 =	vpop (erf)  }
0x1e7: {  	s29 =	sshll.u32 s22, $0x7;
	s22 =	smov.u32 s28;
	v9 =	vmul.f32 v11, v9;
	v10 =	vmul.f32 v11, v10;
	v12 =	vpop (erf)  }
0x1e8: {  	v8 =	vmul.f32 v11, v8;
	v11 =	vmul.f32 v11, v12;
	v12 =	vor.u32 s29, v0  }
0x1e9: {  	v9 =	vnsel vm2, $0x0, v9;
	v10 =	vnsel vm1, $0x0, v10  }
0x1ea: {  	v8 =	vnsel vm0, $0x0, v8;
	[tilespmem:s24+$0xFFFFFFE0] =	vst v9;
	v9 =	vnsel vm3, $0x0, v11  }
0x1eb: {  	[tilespmem:s24+$0xFFFFFFF0] =	vst v10  }
0x1ec: {  	[tilespmem:s24+$0x10] =	vst v9  }
0x1ed: {  	[tilespmem:s24+$0x0] =	vst v8;
	s24 =	smov.u32 s25  }
0x1ee: {  	[tilespmem:v12+s19+$0x0] =	vst.idx.msk $0xff, v7  }
0x1ef: {  	v8 =	vld [tilespmem:s23+$0xFFFFFFF0]  }
0x1f0: {  	v9 =	vld [tilespmem:s23+$0xFFFFFFE0];
	_ =	sdelay $0x3  }
0x1f1: {  	(xrf1) =	vsort.dscd.msk.f32 $0xffff, v8, v1  }
0x1f2: {  	v10 =	vld [tilespmem:s23+$0x10];
	(xrf1) =	vsort.dscd.msk.f32 $0xffff, v9, v0  }
0x1f3: {  	v11 =	vld [tilespmem:s23+$0x0];
	_ =	sdelay $0x3  }
0x1f4: {  	(xrf1) =	vsort.dscd.msk.f32 $0xffff, v10, v3  }
0x1f5: {  	(xrf1) =	vsort.dscd.msk.f32 $0xffff, v11, v2;
	_ =	sdelay $0x6  }
0x1f6: {  	v7, v12, _ =	vpop (xrf1)  }
0x1f7: {  	[tilespmem:$0x18090] =	vst v12;
	v12, v13, _ =	vpop (xrf1)  }
0x1f8: {  	[tilespmem:$0x18080] =	vst v13  }
0x1f9: {  	[tilespmem:$0x18010] =	vst v7  }
0x1fa: {  	[tilespmem:$0x18000] =	vst v12  }
0x1fb: {  	v7 =	vld.idx.msk [tilespmem:v4+s17+$0x0], $0xffff  }
0x1fc: {  	v12 =	vld.idx.msk [tilespmem:v4+s18+$0x0], $0xffff;
	v13, v14, _ =	vpop (xrf1)  }
0x1fd: {  	[tilespmem:$0x18090] =	vst v14;
	v14, v15, _ =	vpop (xrf1)  }
0x1fe: {  	[tilespmem:$0x18080] =	vst v15  }
0x1ff: {  	[tilespmem:$0x18000] =	vst v14  }
0x200: {  	[tilespmem:$0x18010] =	vst v13  }
0x201: {  	v13 =	vld.idx.msk [tilespmem:v4+s17+$0x0], $0xffff  }
0x202: {  	v14 =	vld.idx.msk [tilespmem:v4+s18+$0x0], $0xffff;
	(xrf1) =	vsort.dscd.msk.f32 $0xffff, v7, v12;
	_ =	sdelay $0x5  }
0x203: {  	(xrf1) =	vsort.dscd.msk.f32 $0xffff, v13, v14;
	_ =	sdelay $0x7  }
0x204: {  	v7, v12, _ =	vpop (xrf1)  }
0x205: {  	[tilespmem:$0x18000] =	vst v7  }
0x206: {  	[tilespmem:$0x18080] =	vst v12;
	_ =	sdelay $0x3  }
0x207: {  	v7, v12, _ =	vpop (xrf1)  }
0x208: {  	[tilespmem:$0x18010] =	vst v7  }
0x209: {  	[tilespmem:$0x18090] =	vst v12  }
0x20a: {  	v7 =	vld.idx.msk [tilespmem:v4+s17+$0x0], $0xffff  }
0x20b: {  	v12 =	vld.idx.msk [tilespmem:v4+s18+$0x0], $0xffff;
	_ =	sdelay $0x5  }
0x20c: {  	(xrf1) =	vsort.dscd.msk.f32 $0xffff, v7, v12;
	_ =	sdelay $0xd  }
0x20d: {  	v12, v7, _ =	vpop (xrf1)  }
0x20e: {  	[tilespmem:$0x18000] =	vst v12;
	(xrf0) =	vmax.scan.msk.f32 $0xffff, v12  }
0x20f: {  	v13 =	vld.idx.msk [tilespmem:v5+s17+$0x0], $0xffff;
	_ =	sdelay $0x4  }
0x210: {  	v14, _, _ =	vpop (xrf0)  }
0x211: {  	vm2 =	vge.f32 v9, v13;
	vm1 =	vge.f32 v8, v13;
	v14 =	vbroadcast v14, $0xF  }
0x212: {  	vm0 =	vge.f32 v11, v13;
	vm3 =	vge.f32 v10, v13  }
0x213: {  	v12 =	vsub.f32 v12, v14;
	v9 =	vsub.f32 v9, v14  }
0x214: {  	v8 =	vsub.f32 v8, v14;
	v11 =	vsub.f32 v11, v14  }
0x215: {  	v10 =	vsub.f32 v10, v14;
	v12 =	vmul.f32 $1.442695020e+00, v12;
	v9 =	vmul.f32 $1.442695020e+00, v9  }
0x216: {  	v8 =	vmul.f32 $1.442695020e+00, v8;
	v11 =	vmul.f32 $1.442695020e+00, v11  }
0x217: {  	v10 =	vmul.f32 $1.442695020e+00, v10;
	(erf) = vpow2.f32 v12;
	_ =	sdelay $0x8  }
0x218: {  	v12 =	vpop (erf)  }
0x219: {  	v12 =	vmul.f32 v6, v12;
	_ =	sdelay $0x1  }
0x21a: {  	(xrf2) =	vadd.scan.msk.f32 $0xffff, v12;
	_ =	sdelay $0x9  }
0x21b: {  	v12, _, _ =	vpop (xrf2)  }
0x21c: {  	v12 =	vadd.f32 $0.0e+00, v12  }
.Ltmp3:
0x21d: {  	(erf) = vpow2.f32 v11;
	(pc) =	sbr.rel @p0 .LBB2_8-.Ltmp3, $4  }
0x21e: {  	v11 =	vbroadcast v12, $0xF;
	(erf) = vpow2.f32 v9  }
0x21f: {  	(erf) = vpow2.f32 v8  }
0x220: {  	(erf) = vrcp.f32 v11  }
0x221: {  	(erf) = vpow2.f32 v10  }
0x222: {  	_ =	sdelay $0x3  }
0x223: {  	v8 =	vpop (erf)  }
0x224: {  	v9 =	vpop (erf)  }
0x225: {  	v10 =	vpop (erf)  }
0x226: {  	v11 =	vpop (erf)  }
0x227: {  	v9 =	vmul.f32 v11, v9  }
0x228: {  	s22 =	sshll.u32 s22, $0x7;
	v10 =	vmul.f32 v11, v10  }
0x229: {  	v13 =	vor.u32 s22, v0;
	v12 =	vpop (erf);
	v8 =	vmul.f32 v11, v8;
	v9 =	vnsel vm2, $0x0, v9  }
0x22a: {  	v12 =	vmul.f32 v11, v12;
	v10 =	vnsel vm1, $0x0, v10;
	[tilespmem:s24+$0xFFFFFFE0] =	vst v9  }
0x22b: {  	v8 =	vnsel vm0, $0x0, v8;
	[tilespmem:s24+$0xFFFFFFF0] =	vst v10  }
0x22c: {  	v63 =	vnsel vm3, $0x0, v12;
	[tilespmem:s24+$0x0] =	vst v8  }
0x22d: {  	[tilespmem:s24+$0x10] =	vst v63  }
0x22e: {  	[tilespmem:v13+s19+$0x0] =	vst.idx.msk $0xff, v7  }
0x22f: {  	[hbm4b:s13+s1] =	stream.linear.scatter [tilespmem:s20], [sflag:$0x1], $0x8000, $0x38;
	[tilespmem:$0x18100] =	vst v63  }
0x230: {  	s21 =	sadd.s32 $0x1, s21;
	_ =	swait.ge [sflag:s16], $0x8000  }
0x231: {  	p0 =	sne.s32 s21, s15;
	[sflag:s16] =	ssyncset.done $0x0  }
.Ltmp4:
0x232: {  	[sflag:s16] =	ssyncadd.s32 $0xFFFF8000;
	(pc) =	sbr.rel @p0 .LBB2_1-.Ltmp4, $4  }
0x233: {  	[hbm4b:s14+s1] =	stream.linear.scatter [tilespmem:s19], [sflag:$0x1], $0x8000, $0x38;
	[tilespmem:$0x18100] =	vst v63  }
0x234: {  	_ =	swait.ge [sflag:s16], $0x8000  }
0x235: {  	[sflag:s16] =	ssyncset.done $0x0  }
0x236: {  	[sflag:s16] =	ssyncadd.s32 $0xFFFF8000  }
0x237: {  	_ =	sfence.sel $0x180000  }
0x238: {  	[bflag:$0x0] =	sbarrier.arrive $0xFFFF  }
0x239: {  	p0 =	sne.s32 s2, $0x0;
	_ =	strace $0x90000047  }
0x23a: {  	s0 =	sadd.s32 @!p0 $0x100000, s0;
	[bflag:$0x2] =	sbarrier.arrive $0xFFFF  }
0x23b: {  	[sflag:s0] =	ssyncadd.tile.s32 @!p0 $0x1;
	_ =	shalt  }
.Lfunc_end2:
_tile_overlayer_lowered:
.L_overlay_start_2:
0x23c: {  	(tag) =	ssettag $0x2  }
0x23d: {  	s0 =	rddreg [dreg:$0x0];
	s2 =	stileid.u32  }
0x23e: {  	s1 =	rddreg [dreg:$0x1];
	p0 =	sne.s32 s2, $0x0  }
0x23f: {  	s3 =	rddreg [dreg:$0x2];
	[bflag:$0x3] =	sbarrier.arrive $0xFFFF;
	s2 =	simm.s32 @!p0 $0x1C01  }
0x240: {  	[timem:s3], [sflag:s2] =	dma.local @!p0 [hbm:s0], s1  }
0x241: {  	s0 =	simm.s32 @!p0 $0x1  }
0x242: {  	_ =	swait.ge @!p0 [sflag:s0], s1  }
0x243: {  	s1 =	ssub.s32 @!p0 $0x0, s1;
	[sflag:s0] =	ssyncset.done @!p0 $0x0  }
0x244: {  	[sflag:s0] =	ssyncadd.s32 @!p0 s1  }
0x245: {  	[bflag:$0x3] =	sbarrier.arrive $0xFFFF  }
0x246: {  	_ =	shalt  }

</sc_bundles>
